<compile_context>
chip_gen: v7x
topology: tpu7x:2x2x1
jax: 0.10.2.dev20260603
libtpu: 0.0.44.dev20260713+nightly
codegen_flags: <defaults>
</compile_context>

<pallas_src>
import functools

import jax
import jax.numpy as jnp
from jax import lax
from jax.experimental import pallas as pl
from jax.experimental.pallas import tpu as pltpu
from jax.experimental.pallas import tpu_sc as plsc

_PATCH = 14.0
_THRESH2 = 25.0 + 2.0 ** -19


def _ransac_tc_kernel(sT_ref, tT_ref, sc_ref, tc_ref, score_col_ref,
                      scale_ref, cos_ref, sin_ref,
                      m_out, failed_out, gidx_out,
                      s2_s, lt_s, kio_s, jcol_s):
    n = sc_ref.shape[1]
    f32 = jnp.float32

    @pl.when(pl.program_id(0) == 0)
    def _init():
        jj0 = lax.broadcasted_iota(jnp.int32, (n, n), 0)
        ii0 = lax.broadcasted_iota(jnp.int32, (n, n), 1)
        lt_s[...] = (ii0 <= jj0).astype(f32)
        kio_s[...] = (ii0 + 1).astype(f32)
        jcol_s[...] = jj0.astype(f32)

    sxr = sT_ref[0, 0:1, :] * _PATCH
    syr = sT_ref[0, 1:2, :] * _PATCH
    txr = tT_ref[0, 0:1, :] * _PATCH
    tyr = tT_ref[0, 1:2, :] * _PATCH
    cosr = cos_ref[0]
    sinr = sin_ref[0]
    scaler = scale_ref[0]

    a00 = scaler * cosr
    a01 = -(scaler * sinr)
    a10 = scaler * sinr

    trx = txr - (a00 * sxr + a01 * syr)
    try_ = tyr - (a10 * sxr + a00 * syr)

    bf = lambda x: x.astype(jnp.bfloat16).astype(f32)
    a00v = bf(a00)
    a01v = bf(a01)
    a10v = bf(a10)

    blk = 64
    scores_row = jnp.zeros((1, n), f32)
    for rb in range(n // blk):
        rs = pl.ds(rb * blk, blk)
        sxc = bf(sc_ref[0, rs, 0:1] * _PATCH)
        syc = bf(sc_ref[0, rs, 1:2] * _PATCH)
        txc = tc_ref[0, rs, 0:1] * _PATCH
        tyc = tc_ref[0, rs, 1:2] * _PATCH
        affx = a00v * sxc + a01v * syc + trx
        affy = a10v * sxc + a00v * syc + try_
        dx = txc - affx
        dy = tyc - affy
        s2 = dx * dx + dy * dy
        s2_s[rs, :] = s2
        jj_b = rb * blk + lax.broadcasted_iota(jnp.int32, (blk, 1), 0)
        ii_b = lax.broadcasted_iota(jnp.int32, (blk, n), 1)
        inl_b = (s2 <= _THRESH2) & (ii_b != jj_b)
        sc_b = score_col_ref[0, rs, 0:1]
        scores_row = scores_row + jnp.sum(
            jnp.where(inl_b, sc_b, 0.0), axis=0, keepdims=True)

    maxv = jnp.max(scores_row)
    irow = lax.broadcasted_iota(jnp.int32, (1, n), 1)
    idx_best = jnp.min(jnp.where(scores_row == maxv, irow, n))
    sel = irow == idx_best

    a00b = jnp.sum(jnp.where(sel, a00, 0.0))
    a01b = jnp.sum(jnp.where(sel, a01, 0.0))
    a10b = jnp.sum(jnp.where(sel, a10, 0.0))
    trxb = jnp.sum(jnp.where(sel, trx, 0.0))
    tryb = jnp.sum(jnp.where(sel, try_, 0.0))

    rio = lax.broadcasted_iota(jnp.int32, (1, 3, 3), 1)
    cio = lax.broadcasted_iota(jnp.int32, (1, 3, 3), 2)
    m = jnp.zeros((1, 3, 3), f32)
    m = jnp.where((rio == 0) & (cio == 0), a00b, m)
    m = jnp.where((rio == 0) & (cio == 1), a01b, m)
    m = jnp.where((rio == 0) & (cio == 2), trxb, m)
    m = jnp.where((rio == 1) & (cio == 0), a10b, m)
    m = jnp.where((rio == 1) & (cio == 1), a00b, m)
    m = jnp.where((rio == 1) & (cio == 2), tryb, m)
    m = jnp.where((rio == 2) & (cio == 2), 1.0, m)
    m_out[...] = m
    failed_out[...] = jnp.where(maxv == 0.0, jnp.ones((1, 1, 1), f32),
                                jnp.zeros((1, 1, 1), f32))

    inl_best = (s2_s[...] <= _THRESH2).astype(f32)
    m_col = jnp.max(jnp.where(sel, inl_best, 0.0), axis=1,
                    keepdims=True)
    jcol = lax.broadcasted_iota(jnp.int32, (n, 1), 0)
    m_col = jnp.where(jcol == idx_best, 0.0, m_col)

    c_col = lax.dot_general(lt_s[...], m_col, (((1,), (0,)), ((), ())),
                            preferred_element_type=f32)
    count = jnp.max(c_col)

    g = jnp.where((c_col == kio_s[...]) & (m_col > 0.0), 1.0, 0.0)

    gidxf = jnp.sum(g * jcol_s[...], axis=0, keepdims=True)
    krow = irow.astype(f32)
    gidx = jnp.where(krow < count, gidxf, float(n)).astype(jnp.int32)
    gidx_out[0] = gidx


def _tc_stage(src_pts, tar_pts, scores, relScale, relInplane, interpret):
    b, n, _ = src_pts.shape
    f32 = jnp.float32
    sT = src_pts.transpose(0, 2, 1)
    tT = tar_pts.transpose(0, 2, 1)
    score_col = scores.reshape(b, n, 1)
    scale_row = relScale.reshape(b, 1, n)
    cos_row = relInplane[..., 0].reshape(b, 1, n)
    sin_row = relInplane[..., 1].reshape(b, 1, n)

    out_shapes = (
        jax.ShapeDtypeStruct((b, 3, 3), f32),
        jax.ShapeDtypeStruct((b, 1, 1), f32),
        jax.ShapeDtypeStruct((b, 1, n), jnp.int32),
    )
    full = lambda *dims: pl.BlockSpec((1,) + dims, lambda i: (i,) + (0,) * len(dims))
    return pl.pallas_call(
        _ransac_tc_kernel,
        grid=(b,),
        in_specs=[
            full(2, n), full(2, n), full(n, 2), full(n, 2),
            full(n, 1), full(1, n), full(1, n), full(1, n),
        ],
        out_specs=[full(3, 3), full(1, 1), full(1, n)],
        out_shape=out_shapes,
        scratch_shapes=[pltpu.VMEM((n, n), f32)] * 4,
        interpret=interpret,
    )(sT, tT, src_pts, tar_pts, score_col, scale_row, cos_row, sin_row)


def _make_sc_gather(num_rows, n, interpret):
    num_cores, num_subcores = 2, 16
    mesh = plsc.VectorSubcoreMesh(core_axis_name="c", subcore_axis_name="s",
                                  num_cores=num_cores,
                                  num_subcores=num_subcores)
    nw = num_cores * num_subcores
    npad = n + 16

    @functools.partial(
        pl.kernel,
        out_type=jax.ShapeDtypeStruct((num_rows, n), jnp.float32),
        mesh=mesh,
        scratch_types=[
            pltpu.VMEM((npad,), jnp.float32),
            pltpu.VMEM((n,), jnp.int32),
            pltpu.VMEM((n,), jnp.float32),
        ],
        compiler_params=pltpu.CompilerParams(needs_layout_passes=False),
        interpret=interpret,
    )
    def sc_gather(vals_hbm, gidx_hbm, out_hbm, vals_v, idx_v, out_v):
        wid = lax.axis_index("s") * num_cores + lax.axis_index("c")

        def do_row(row):
            sample = row // 5
            arr = row % 5
            pltpu.sync_copy(vals_hbm.at[row], vals_v.at[pl.ds(0, n)])
            fill = jnp.where(arr == 4, 0.0, -1.0)
            vals_v[pl.ds(n, 16)] = jnp.zeros((16,), jnp.float32) + fill
            pltpu.sync_copy(gidx_hbm.at[sample], idx_v)

            def chunk(c, _):
                idx = idx_v[pl.ds(c * 16, 16)]
                out_v[pl.ds(c * 16, 16)] = plsc.load_gather(vals_v, [idx])
                return 0

            lax.fori_loop(0, n // 16, chunk, 0)
            pltpu.sync_copy(out_v, out_hbm.at[row])

        for t in range((num_rows + nw - 1) // nw):
            row = wid + t * nw

            @pl.when(row < num_rows)
            def _():
                do_row(row)

    return sc_gather


@functools.partial(jax.jit, static_argnames=("interpret",))
def _run(src_pts, tar_pts, scores, relScale, relInplane, interpret=False):
    b, n, _ = src_pts.shape
    ms, failedf, gidx = _tc_stage(src_pts, tar_pts, scores, relScale,
                                  relInplane, interpret)

    vals = jnp.concatenate(
        [src_pts.transpose(0, 2, 1), tar_pts.transpose(0, 2, 1),
         scores.reshape(b, 1, n)], axis=1).reshape(b * 5, n)

    sc = _make_sc_gather(b * 5, n, interpret)
    out = sc(vals, gidx.reshape(b, n)).reshape(b, 5, n)

    isrc = out[:, 0:2, :].transpose(0, 2, 1)
    itar = out[:, 2:4, :].transpose(0, 2, 1)
    iscore = out[:, 4, :]
    return ms, failedf.reshape(b) != 0.0, isrc, itar, iscore


def kernel(src_pts, tar_pts, scores, relScale, relInplane):
    return _run(src_pts, tar_pts, scores, relScale, relInplane)

# --- scband reference (transcript-rebuilt; emitter-appended) ---
"""Pipeline reference for scband-ransac-36807869726871 (READ-ONLY COPY).

The authoritative reference and input builder live on the scoring server;
editing this copy changes nothing except your own understanding.
"""

import jax, jax.numpy as jnp
import numpy as np

PATCH_SIZE = 14
PIXEL_THRESHOLD = 5.0
B, N = 16, 512


def _remaining_idx(n):
    # row i contains arange(n) with i removed, shape (n, n-1)
    j = jnp.arange(n - 1)[None, :]
    i = jnp.arange(n)[:, None]
    return jnp.where(j < i, j, j + 1)


def _ransac_single(src, tar, score, relScale, relInplane):
    n = src.shape[0]
    s = src * PATCH_SIZE
    t = tar * PATCH_SIZE
    rem = _remaining_idx(n)  # (n, n-1) int
    train_src, train_tar = s, t
    val_src = s[rem]          # (n, n-1, 2)
    val_tar = t[rem]
    val_score = score[rem]    # (n, n-1)
    cos_t = relInplane[:, 0]
    sin_t = relInplane[:, 1]
    R = jnp.stack([cos_t, -sin_t, sin_t, cos_t], axis=1).reshape(-1, 2, 2)
    A = relScale[:, None, None] * R  # (n, 2, 2) linear part of affine (affine_torch)
    aff_train = jnp.einsum('nij,nj->ni', A, train_src)  # apply_affine, zero translation
    trans = train_tar - aff_train                       # M_candidates[:, :2, 2] = ...
    M = jnp.zeros((n, 3, 3), dtype=src.dtype)
    M = M.at[:, :2, :2].set(A).at[:, :2, 2].set(trans).at[:, 2, 2].set(1.0)
    aff_val = jnp.einsum('nij,nkj->nki', A, val_src) + trans[:, None, :]
    errors = jnp.linalg.norm(val_tar - aff_val, axis=2)  # (n, n-1)
    inliers = errors <= PIXEL_THRESHOLD
    score_inliers = jnp.sum(inliers * val_score, axis=1)
    idx_best = jnp.argmax(score_inliers)
    failed = score_inliers[idx_best] == 0
    mask = inliers[idx_best]                 # (n-1,)
    count = jnp.sum(mask)
    # stable sort moves inliers to the front preserving ascending index order
    order = jnp.argsort(jnp.logical_not(mask).astype(jnp.int32))
    idx_inlier = rem[idx_best][order]        # (n-1,)
    valid = jnp.arange(n - 1) < count
    g_src = jnp.where(valid[:, None], src[idx_inlier], -1.0)
    g_tar = jnp.where(valid[:, None], tar[idx_inlier], -1.0)
    g_score = jnp.where(valid, score[idx_inlier], 0.0)
    pad2 = jnp.full((1, 2), -1.0, dtype=src.dtype)
    inlier_src = jnp.concatenate([g_src, pad2], axis=0)   # (n, 2)
    inlier_tar = jnp.concatenate([g_tar, pad2], axis=0)
    inlier_score = jnp.concatenate([g_score, jnp.zeros((1,), dtype=src.dtype)], axis=0)
    return M[idx_best], failed, inlier_src, inlier_tar, inlier_score


def setup_inputs(seed: int = 0) -> dict:
    key = jax.random.key(seed)
    k1, k2, k3, k4, k5 = jax.random.split(key, 5)
    src_pts = jax.random.uniform(k1, (B, N, 2), dtype=jnp.float32)
    tar_pts = jax.random.uniform(k2, (B, N, 2), dtype=jnp.float32)
    scores = jax.random.uniform(k3, (B, N), dtype=jnp.float32)
    relScale = jax.random.uniform(k4, (B, N), dtype=jnp.float32) + 0.5
    angles = jax.random.uniform(k5, (B, N), dtype=jnp.float32) * 2.0 * np.pi
    relInplane = jnp.stack([jnp.cos(angles), jnp.sin(angles)], axis=-1)
    return {"src_pts": src_pts, "tar_pts": tar_pts, "scores": scores,
            "relScale": relScale, "relInplane": relInplane}


def reference(src_pts, tar_pts, scores, relScale, relInplane):
    Ms, failed, isrc, itar, iscore = jax.vmap(_ransac_single)(
        src_pts, tar_pts, scores, relScale, relInplane)
    return Ms, failed, isrc, itar, iscore

if __name__ == "__main__":
    import jax
    _d = setup_inputs()
    print(jax.jit(kernel)(*tuple(_d.values())))

</pallas_src>

<mosaic_0001>
#map = affine_map<(d0, d1) -> (0, 0)>
module attributes {stable_mosaic.version = 14 : i64} {
  func.func @sc_gather(%arg0: i32, %arg1: i32, %arg2: memref<80x512xf32, #tpu.memory_space<hbm>>, %arg3: memref<16x512xi32, #tpu.memory_space<hbm>>, %arg4: memref<80x512xf32, #tpu.memory_space<hbm>>, %arg5: memref<528xf32, #tpu.memory_space<vmem>>, %arg6: memref<512xi32, #tpu.memory_space<vmem>>, %arg7: memref<512xf32, #tpu.memory_space<vmem>>) attributes {dimension_semantics = [#tpu.dimension_semantics<core_parallel>, #tpu.dimension_semantics<subcore_parallel>], iteration_bounds = array<i64: 2, 16>, scalar_prefetch = 0 : i64, scratch_operands = 3 : i64, tpu.core_type = #tpu.core_type<sc_vector_subcore>, window_params = [{transform_indices = #map}, {transform_indices = #map}, {transform_indices = #map}]} {
    %mul3A = arith.constant 2 : i32
    %mul3A_0 = arith.muli %arg1, %mul3A : i32
    %add3A = arith.addi %mul3A_0, %arg0 : i32
    %add3A_1 = arith.constant 0 : i32
    %add3A_2 = arith.addi %add3A, %add3A_1 : i32
    %lt3A = arith.constant 80 : i32
    %lt3A_3 = arith.cmpi slt, %add3A_2, %lt3A : i32
    %convert_element_type3A = arith.extui %lt3A_3 : i1 to i32
    %cond3A = arith.constant 0 : i32
    %cond3A_4 = arith.cmpi ne, %convert_element_type3A, %cond3A : i32
    scf.if %cond3A_4 {
      %jit3A = arith.constant 5 : i32
      %div3A = arith.divsi %add3A_2, %jit3A : i32
      %sign3A = arith.constant 0 : i32
      %sign3A_19 = arith.cmpi sgt, %add3A_2, %sign3A : i32
      %sign3A_20 = arith.extui %sign3A_19 : i1 to i32
      %sign3A_21 = arith.constant 0 : i32
      %sign3A_22 = arith.cmpi slt, %add3A_2, %sign3A_21 : i32
      %sign3A_23 = arith.extui %sign3A_22 : i1 to i32
      %sign3A_24 = arith.subi %sign3A_20, %sign3A_23 : i32
      %sign3A_25 = arith.constant 0 : i32
      %sign3A_26 = arith.cmpi sgt, %jit3A, %sign3A_25 : i32
      %sign3A_27 = arith.extui %sign3A_26 : i1 to i32
      %sign3A_28 = arith.constant 0 : i32
      %sign3A_29 = arith.cmpi slt, %jit3A, %sign3A_28 : i32
      %sign3A_30 = arith.extui %sign3A_29 : i1 to i32
      %sign3A_31 = arith.subi %sign3A_27, %sign3A_30 : i32
      %ne3A = arith.cmpi ne, %sign3A_24, %sign3A_31 : i32
      %rem3A = arith.remsi %add3A_2, %jit3A : i32
      %ne3A_32 = arith.constant 0 : i32
      %ne3A_33 = arith.cmpi ne, %rem3A, %ne3A_32 : i32
      %and3A = arith.andi %ne3A, %ne3A_33 : i1
      %sub3A = arith.constant 1 : i32
      %sub3A_34 = arith.subi %div3A, %sub3A : i32
      %select_n3A = arith.select %and3A, %sub3A_34, %div3A : i32
      %jit3A_35 = arith.constant 5 : i32
      %eq3A = arith.constant 0 : i32
      %eq3A_36 = arith.cmpi eq, %jit3A_35, %eq3A : i32
      %jit3A_37 = arith.constant 1 : i32
      %select_n3A_38 = arith.select %eq3A_36, %jit3A_37, %jit3A_35 : i32
      %rem3A_39 = arith.remsi %add3A_2, %select_n3A_38 : i32
      %ne3A_40 = arith.constant 0 : i32
      %ne3A_41 = arith.cmpi ne, %rem3A_39, %ne3A_40 : i32
      %lt3A_42 = arith.constant 0 : i32
      %lt3A_43 = arith.cmpi slt, %rem3A_39, %lt3A_42 : i32
      %lt3A_44 = arith.constant 0 : i32
      %lt3A_45 = arith.cmpi slt, %select_n3A_38, %lt3A_44 : i32
      %ne3A_46 = arith.xori %lt3A_43, %lt3A_45 : i1
      %and3A_47 = arith.andi %ne3A_46, %ne3A_41 : i1
      %add3A_48 = arith.addi %rem3A_39, %select_n3A_38 : i32
      %select_n3A_49 = arith.select %and3A_47, %add3A_48, %rem3A_39 : i32
      "tpu.region"() ({
        %run_scoped3A = tpu.sem_alloc : memref<!tpu.dma_semaphore, #tpu.memory_space<semaphore_mem>>
        %dma_start3A = arith.constant 0 : i32
        %dma_start3A_65 = tpu.memref_slice %arg5[%dma_start3A] : memref<528xf32, #tpu.memory_space<vmem>> -> memref<512xf32, #tpu.memory_space<vmem>>
        %dma_start3A_66 = arith.constant 0 : i32
        %dma_start3A_67 = tpu.memref_slice %arg2[%add3A_2, %dma_start3A_66] : memref<80x512xf32, #tpu.memory_space<hbm>> -> memref<1x512xf32, #tpu.memory_space<hbm>>
        %dma_start3A_68 = tpu.memref_squeeze %dma_start3A_67 : memref<1x512xf32, #tpu.memory_space<hbm>> -> memref<512xf32, #tpu.memory_space<hbm>>
        %dma_start3A_69 = arith.constant 0 : i32
        %dma_start3A_70 = tpu.memref_slice %arg5[%dma_start3A_69] : memref<528xf32, #tpu.memory_space<vmem>> -> memref<512xf32, #tpu.memory_space<vmem>>
        %dma_start3A_71 = arith.constant 0 : i32
        %dma_start3A_72 = tpu.memref_slice %arg2[%add3A_2, %dma_start3A_71] : memref<80x512xf32, #tpu.memory_space<hbm>> -> memref<1x512xf32, #tpu.memory_space<hbm>>
        %dma_start3A_73 = tpu.memref_squeeze %dma_start3A_72 : memref<1x512xf32, #tpu.memory_space<hbm>> -> memref<512xf32, #tpu.memory_space<hbm>>
        tpu.enqueue_dma source(%dma_start3A_73 : memref<512xf32, #tpu.memory_space<hbm>>) target(%dma_start3A_70 : memref<512xf32, #tpu.memory_space<vmem>>) target_semaphore(%run_scoped3A : memref<!tpu.dma_semaphore, #tpu.memory_space<semaphore_mem>>)
        %dma_wait3A = arith.constant 0 : i32
        %dma_wait3A_74 = tpu.memref_slice %arg5[%dma_wait3A] : memref<528xf32, #tpu.memory_space<vmem>> -> memref<512xf32, #tpu.memory_space<vmem>>
        %dma_wait3A_75 = arith.constant 0 : i32
        %dma_wait3A_76 = tpu.memref_slice %arg2[%add3A_2, %dma_wait3A_75] : memref<80x512xf32, #tpu.memory_space<hbm>> -> memref<1x512xf32, #tpu.memory_space<hbm>>
        %dma_wait3A_77 = tpu.memref_squeeze %dma_wait3A_76 : memref<1x512xf32, #tpu.memory_space<hbm>> -> memref<512xf32, #tpu.memory_space<hbm>>
        %dma_wait3A_78 = arith.constant 0 : i32
        %dma_wait3A_79 = tpu.memref_slice %arg5[%dma_wait3A_78] : memref<528xf32, #tpu.memory_space<vmem>> -> memref<512xf32, #tpu.memory_space<vmem>>
        %dma_wait3A_80 = arith.constant 0 : i32
        %dma_wait3A_81 = tpu.memref_slice %arg2[%add3A_2, %dma_wait3A_80] : memref<80x512xf32, #tpu.memory_space<hbm>> -> memref<1x512xf32, #tpu.memory_space<hbm>>
        %dma_wait3A_82 = tpu.memref_squeeze %dma_wait3A_81 : memref<1x512xf32, #tpu.memory_space<hbm>> -> memref<512xf32, #tpu.memory_space<hbm>>
        tpu.wait_dma2 semaphore(%run_scoped3A : memref<!tpu.dma_semaphore, #tpu.memory_space<semaphore_mem>>) src(%dma_wait3A_82 : memref<512xf32, #tpu.memory_space<hbm>>) dst(%dma_wait3A_79 : memref<512xf32, #tpu.memory_space<vmem>>)
        tpu.yield
      }) : () -> ()
      %eq3A_50 = arith.constant 4 : i32
      %eq3A_51 = arith.cmpi eq, %select_n3A_49, %eq3A_50 : i32
      %jit3A_52 = arith.constant 0.000000e+00 : f32
      %jit3A_53 = arith.constant -1.000000e+00 : f32
      %select_n3A_54 = arith.select %eq3A_51, %jit3A_52, %jit3A_53 : f32
      %broadcast_in_dim3A = arith.constant 0.000000e+00 : f32
      %broadcast_in_dim3A_55 = vector.broadcast %broadcast_in_dim3A : f32 to vector<16xf32>
      %add3A_56 = vector.broadcast %select_n3A_54 : f32 to vector<16xf32>
      %add3A_57 = arith.addf %broadcast_in_dim3A_55, %add3A_56 : vector<16xf32>
      %swap3A = arith.constant 512 : index
      %swap3A_58 = tpu.vector_load %arg5[%swap3A] {strides = array<i32>} : memref<528xf32, #tpu.memory_space<vmem>>, vector<16xf32>,
      tpu.vector_store %arg5[%swap3A], %add3A_57 {strides = array<i32>} : memref<528xf32, #tpu.memory_space<vmem>>, vector<16xf32>,
      "tpu.region"() ({
        %run_scoped3A = tpu.sem_alloc : memref<!tpu.dma_semaphore, #tpu.memory_space<semaphore_mem>>
        %dma_start3A = arith.constant 0 : i32
        %dma_start3A_65 = tpu.memref_slice %arg3[%select_n3A, %dma_start3A] : memref<16x512xi32, #tpu.memory_space<hbm>> -> memref<1x512xi32, #tpu.memory_space<hbm>>
        %dma_start3A_66 = tpu.memref_squeeze %dma_start3A_65 : memref<1x512xi32, #tpu.memory_space<hbm>> -> memref<512xi32, #tpu.memory_space<hbm>>
        %dma_start3A_67 = arith.constant 0 : i32
        %dma_start3A_68 = tpu.memref_slice %arg3[%select_n3A, %dma_start3A_67] : memref<16x512xi32, #tpu.memory_space<hbm>> -> memref<1x512xi32, #tpu.memory_space<hbm>>
        %dma_start3A_69 = tpu.memref_squeeze %dma_start3A_68 : memref<1x512xi32, #tpu.memory_space<hbm>> -> memref<512xi32, #tpu.memory_space<hbm>>
        tpu.enqueue_dma source(%dma_start3A_69 : memref<512xi32, #tpu.memory_space<hbm>>) target(%arg6 : memref<512xi32, #tpu.memory_space<vmem>>) target_semaphore(%run_scoped3A : memref<!tpu.dma_semaphore, #tpu.memory_space<semaphore_mem>>)
        %dma_wait3A = arith.constant 0 : i32
        %dma_wait3A_70 = tpu.memref_slice %arg3[%select_n3A, %dma_wait3A] : memref<16x512xi32, #tpu.memory_space<hbm>> -> memref<1x512xi32, #tpu.memory_space<hbm>>
        %dma_wait3A_71 = tpu.memref_squeeze %dma_wait3A_70 : memref<1x512xi32, #tpu.memory_space<hbm>> -> memref<512xi32, #tpu.memory_space<hbm>>
        %dma_wait3A_72 = arith.constant 0 : i32
        %dma_wait3A_73 = tpu.memref_slice %arg3[%select_n3A, %dma_wait3A_72] : memref<16x512xi32, #tpu.memory_space<hbm>> -> memref<1x512xi32, #tpu.memory_space<hbm>>
        %dma_wait3A_74 = tpu.memref_squeeze %dma_wait3A_73 : memref<1x512xi32, #tpu.memory_space<hbm>> -> memref<512xi32, #tpu.memory_space<hbm>>
        tpu.wait_dma2 semaphore(%run_scoped3A : memref<!tpu.dma_semaphore, #tpu.memory_space<semaphore_mem>>) src(%dma_wait3A_74 : memref<512xi32, #tpu.memory_space<hbm>>) dst(%arg6 : memref<512xi32, #tpu.memory_space<vmem>>)
        tpu.yield
      }) : () -> ()
      %scan3A = arith.constant 0 : i32
      %scan3A_59 = arith.constant 0 : i32
      %scan3A_60 = arith.constant 32 : i32
      %scan3A_61 = arith.addi %scan3A_59, %scan3A_60 : i32
      %scan3A_62 = arith.constant 1 : i32
      %scan3A_63 = scf.for %scan3A_65 = %scan3A_59 to %scan3A_61 step %scan3A_62 iter_args(%scan3A_66 = %scan3A) -> (i32)  : i32 {
        %mul3A_67 = arith.constant 16 : i32
        %mul3A_68 = arith.muli %scan3A_65, %mul3A_67 : i32
        %get3A = arith.index_cast %mul3A_68 : i32 to index
        %get3A_69 = tpu.vector_load %arg6[%get3A] {strides = array<i32>} : memref<512xi32, #tpu.memory_space<vmem>>, vector<16xi32>,
        %gather3A = tpu.vector_load_idx %arg5[%get3A_69] : memref<528xf32, #tpu.memory_space<vmem>>[vector<16xi32>], vector<16xf32>,
        %mul3A_70 = arith.constant 16 : i32
        %mul3A_71 = arith.muli %scan3A_65, %mul3A_70 : i32
        %swap3A_72 = arith.index_cast %mul3A_71 : i32 to index
        %swap3A_73 = tpu.vector_load %arg7[%swap3A_72] {strides = array<i32>} : memref<512xf32, #tpu.memory_space<vmem>>, vector<16xf32>,
        tpu.vector_store %arg7[%swap3A_72], %gather3A {strides = array<i32>} : memref<512xf32, #tpu.memory_space<vmem>>, vector<16xf32>,
        %scan3A_74 = arith.constant 0 : i32
        scf.yield %scan3A_74 : i32
      }
      %scan3A_64 = arith.constant 32 : i32
      "tpu.region"() ({
        %run_scoped3A = tpu.sem_alloc : memref<!tpu.dma_semaphore, #tpu.memory_space<semaphore_mem>>
        %dma_start3A = arith.constant 0 : i32
        %dma_start3A_65 = tpu.memref_slice %arg4[%add3A_2, %dma_start3A] : memref<80x512xf32, #tpu.memory_space<hbm>> -> memref<1x512xf32, #tpu.memory_space<hbm>>
        %dma_start3A_66 = tpu.memref_squeeze %dma_start3A_65 : memref<1x512xf32, #tpu.memory_space<hbm>> -> memref<512xf32, #tpu.memory_space<hbm>>
        %dma_start3A_67 = arith.constant 0 : i32
        %dma_start3A_68 = tpu.memref_slice %arg4[%add3A_2, %dma_start3A_67] : memref<80x512xf32, #tpu.memory_space<hbm>> -> memref<1x512xf32, #tpu.memory_space<hbm>>
        %dma_start3A_69 = tpu.memref_squeeze %dma_start3A_68 : memref<1x512xf32, #tpu.memory_space<hbm>> -> memref<512xf32, #tpu.memory_space<hbm>>
        tpu.enqueue_dma source(%arg7 : memref<512xf32, #tpu.memory_space<vmem>>) target(%dma_start3A_69 : memref<512xf32, #tpu.memory_space<hbm>>) target_semaphore(%run_scoped3A : memref<!tpu.dma_semaphore, #tpu.memory_space<semaphore_mem>>)
        %dma_wait3A = arith.constant 0 : i32
        %dma_wait3A_70 = tpu.memref_slice %arg4[%add3A_2, %dma_wait3A] : memref<80x512xf32, #tpu.memory_space<hbm>> -> memref<1x512xf32, #tpu.memory_space<hbm>>
        %dma_wait3A_71 = tpu.memref_squeeze %dma_wait3A_70 : memref<1x512xf32, #tpu.memory_space<hbm>> -> memref<512xf32, #tpu.memory_space<hbm>>
        %dma_wait3A_72 = arith.constant 0 : i32
        %dma_wait3A_73 = tpu.memref_slice %arg4[%add3A_2, %dma_wait3A_72] : memref<80x512xf32, #tpu.memory_space<hbm>> -> memref<1x512xf32, #tpu.memory_space<hbm>>
        %dma_wait3A_74 = tpu.memref_squeeze %dma_wait3A_73 : memref<1x512xf32, #tpu.memory_space<hbm>> -> memref<512xf32, #tpu.memory_space<hbm>>
        tpu.wait_dma2 semaphore(%run_scoped3A : memref<!tpu.dma_semaphore, #tpu.memory_space<semaphore_mem>>) src(%arg7 : memref<512xf32, #tpu.memory_space<vmem>>) dst(%dma_wait3A_74 : memref<512xf32, #tpu.memory_space<hbm>>)
        tpu.yield
      }) : () -> ()
    } else {
    }
    %add3A_5 = arith.constant 32 : i32
    %add3A_6 = arith.addi %add3A, %add3A_5 : i32
    %lt3A_7 = arith.constant 80 : i32
    %lt3A_8 = arith.cmpi slt, %add3A_6, %lt3A_7 : i32
    %convert_element_type3A_9 = arith.extui %lt3A_8 : i1 to i32
    %cond3A_10 = arith.constant 0 : i32
    %cond3A_11 = arith.cmpi ne, %convert_element_type3A_9, %cond3A_10 : i32
    scf.if %cond3A_11 {
      %jit3A = arith.constant 5 : i32
      %div3A = arith.divsi %add3A_6, %jit3A : i32
      %sign3A = arith.constant 0 : i32
      %sign3A_19 = arith.cmpi sgt, %add3A_6, %sign3A : i32
      %sign3A_20 = arith.extui %sign3A_19 : i1 to i32
      %sign3A_21 = arith.constant 0 : i32
      %sign3A_22 = arith.cmpi slt, %add3A_6, %sign3A_21 : i32
      %sign3A_23 = arith.extui %sign3A_22 : i1 to i32
      %sign3A_24 = arith.subi %sign3A_20, %sign3A_23 : i32
      %sign3A_25 = arith.constant 0 : i32
      %sign3A_26 = arith.cmpi sgt, %jit3A, %sign3A_25 : i32
      %sign3A_27 = arith.extui %sign3A_26 : i1 to i32
      %sign3A_28 = arith.constant 0 : i32
      %sign3A_29 = arith.cmpi slt, %jit3A, %sign3A_28 : i32
      %sign3A_30 = arith.extui %sign3A_29 : i1 to i32
      %sign3A_31 = arith.subi %sign3A_27, %sign3A_30 : i32
      %ne3A = arith.cmpi ne, %sign3A_24, %sign3A_31 : i32
      %rem3A = arith.remsi %add3A_6, %jit3A : i32
      %ne3A_32 = arith.constant 0 : i32
      %ne3A_33 = arith.cmpi ne, %rem3A, %ne3A_32 : i32
      %and3A = arith.andi %ne3A, %ne3A_33 : i1
      %sub3A = arith.constant 1 : i32
      %sub3A_34 = arith.subi %div3A, %sub3A : i32
      %select_n3A = arith.select %and3A, %sub3A_34, %div3A : i32
      %jit3A_35 = arith.constant 5 : i32
      %eq3A = arith.constant 0 : i32
      %eq3A_36 = arith.cmpi eq, %jit3A_35, %eq3A : i32
      %jit3A_37 = arith.constant 1 : i32
      %select_n3A_38 = arith.select %eq3A_36, %jit3A_37, %jit3A_35 : i32
      %rem3A_39 = arith.remsi %add3A_6, %select_n3A_38 : i32
      %ne3A_40 = arith.constant 0 : i32
      %ne3A_41 = arith.cmpi ne, %rem3A_39, %ne3A_40 : i32
      %lt3A_42 = arith.constant 0 : i32
      %lt3A_43 = arith.cmpi slt, %rem3A_39, %lt3A_42 : i32
      %lt3A_44 = arith.constant 0 : i32
      %lt3A_45 = arith.cmpi slt, %select_n3A_38, %lt3A_44 : i32
      %ne3A_46 = arith.xori %lt3A_43, %lt3A_45 : i1
      %and3A_47 = arith.andi %ne3A_46, %ne3A_41 : i1
      %add3A_48 = arith.addi %rem3A_39, %select_n3A_38 : i32
      %select_n3A_49 = arith.select %and3A_47, %add3A_48, %rem3A_39 : i32
      "tpu.region"() ({
        %run_scoped3A = tpu.sem_alloc : memref<!tpu.dma_semaphore, #tpu.memory_space<semaphore_mem>>
        %dma_start3A = arith.constant 0 : i32
        %dma_start3A_65 = tpu.memref_slice %arg5[%dma_start3A] : memref<528xf32, #tpu.memory_space<vmem>> -> memref<512xf32, #tpu.memory_space<vmem>>
        %dma_start3A_66 = arith.constant 0 : i32
        %dma_start3A_67 = tpu.memref_slice %arg2[%add3A_6, %dma_start3A_66] : memref<80x512xf32, #tpu.memory_space<hbm>> -> memref<1x512xf32, #tpu.memory_space<hbm>>
        %dma_start3A_68 = tpu.memref_squeeze %dma_start3A_67 : memref<1x512xf32, #tpu.memory_space<hbm>> -> memref<512xf32, #tpu.memory_space<hbm>>
        %dma_start3A_69 = arith.constant 0 : i32
        %dma_start3A_70 = tpu.memref_slice %arg5[%dma_start3A_69] : memref<528xf32, #tpu.memory_space<vmem>> -> memref<512xf32, #tpu.memory_space<vmem>>
        %dma_start3A_71 = arith.constant 0 : i32
        %dma_start3A_72 = tpu.memref_slice %arg2[%add3A_6, %dma_start3A_71] : memref<80x512xf32, #tpu.memory_space<hbm>> -> memref<1x512xf32, #tpu.memory_space<hbm>>
        %dma_start3A_73 = tpu.memref_squeeze %dma_start3A_72 : memref<1x512xf32, #tpu.memory_space<hbm>> -> memref<512xf32, #tpu.memory_space<hbm>>
        tpu.enqueue_dma source(%dma_start3A_73 : memref<512xf32, #tpu.memory_space<hbm>>) target(%dma_start3A_70 : memref<512xf32, #tpu.memory_space<vmem>>) target_semaphore(%run_scoped3A : memref<!tpu.dma_semaphore, #tpu.memory_space<semaphore_mem>>)
        %dma_wait3A = arith.constant 0 : i32
        %dma_wait3A_74 = tpu.memref_slice %arg5[%dma_wait3A] : memref<528xf32, #tpu.memory_space<vmem>> -> memref<512xf32, #tpu.memory_space<vmem>>
        %dma_wait3A_75 = arith.constant 0 : i32
        %dma_wait3A_76 = tpu.memref_slice %arg2[%add3A_6, %dma_wait3A_75] : memref<80x512xf32, #tpu.memory_space<hbm>> -> memref<1x512xf32, #tpu.memory_space<hbm>>
        %dma_wait3A_77 = tpu.memref_squeeze %dma_wait3A_76 : memref<1x512xf32, #tpu.memory_space<hbm>> -> memref<512xf32, #tpu.memory_space<hbm>>
        %dma_wait3A_78 = arith.constant 0 : i32
        %dma_wait3A_79 = tpu.memref_slice %arg5[%dma_wait3A_78] : memref<528xf32, #tpu.memory_space<vmem>> -> memref<512xf32, #tpu.memory_space<vmem>>
        %dma_wait3A_80 = arith.constant 0 : i32
        %dma_wait3A_81 = tpu.memref_slice %arg2[%add3A_6, %dma_wait3A_80] : memref<80x512xf32, #tpu.memory_space<hbm>> -> memref<1x512xf32, #tpu.memory_space<hbm>>
        %dma_wait3A_82 = tpu.memref_squeeze %dma_wait3A_81 : memref<1x512xf32, #tpu.memory_space<hbm>> -> memref<512xf32, #tpu.memory_space<hbm>>
        tpu.wait_dma2 semaphore(%run_scoped3A : memref<!tpu.dma_semaphore, #tpu.memory_space<semaphore_mem>>) src(%dma_wait3A_82 : memref<512xf32, #tpu.memory_space<hbm>>) dst(%dma_wait3A_79 : memref<512xf32, #tpu.memory_space<vmem>>)
        tpu.yield
      }) : () -> ()
      %eq3A_50 = arith.constant 4 : i32
      %eq3A_51 = arith.cmpi eq, %select_n3A_49, %eq3A_50 : i32
      %jit3A_52 = arith.constant 0.000000e+00 : f32
      %jit3A_53 = arith.constant -1.000000e+00 : f32
      %select_n3A_54 = arith.select %eq3A_51, %jit3A_52, %jit3A_53 : f32
      %broadcast_in_dim3A = arith.constant 0.000000e+00 : f32
      %broadcast_in_dim3A_55 = vector.broadcast %broadcast_in_dim3A : f32 to vector<16xf32>
      %add3A_56 = vector.broadcast %select_n3A_54 : f32 to vector<16xf32>
      %add3A_57 = arith.addf %broadcast_in_dim3A_55, %add3A_56 : vector<16xf32>
      %swap3A = arith.constant 512 : index
      %swap3A_58 = tpu.vector_load %arg5[%swap3A] {strides = array<i32>} : memref<528xf32, #tpu.memory_space<vmem>>, vector<16xf32>,
      tpu.vector_store %arg5[%swap3A], %add3A_57 {strides = array<i32>} : memref<528xf32, #tpu.memory_space<vmem>>, vector<16xf32>,
      "tpu.region"() ({
        %run_scoped3A = tpu.sem_alloc : memref<!tpu.dma_semaphore, #tpu.memory_space<semaphore_mem>>
        %dma_start3A = arith.constant 0 : i32
        %dma_start3A_65 = tpu.memref_slice %arg3[%select_n3A, %dma_start3A] : memref<16x512xi32, #tpu.memory_space<hbm>> -> memref<1x512xi32, #tpu.memory_space<hbm>>
        %dma_start3A_66 = tpu.memref_squeeze %dma_start3A_65 : memref<1x512xi32, #tpu.memory_space<hbm>> -> memref<512xi32, #tpu.memory_space<hbm>>
        %dma_start3A_67 = arith.constant 0 : i32
        %dma_start3A_68 = tpu.memref_slice %arg3[%select_n3A, %dma_start3A_67] : memref<16x512xi32, #tpu.memory_space<hbm>> -> memref<1x512xi32, #tpu.memory_space<hbm>>
        %dma_start3A_69 = tpu.memref_squeeze %dma_start3A_68 : memref<1x512xi32, #tpu.memory_space<hbm>> -> memref<512xi32, #tpu.memory_space<hbm>>
        tpu.enqueue_dma source(%dma_start3A_69 : memref<512xi32, #tpu.memory_space<hbm>>) target(%arg6 : memref<512xi32, #tpu.memory_space<vmem>>) target_semaphore(%run_scoped3A : memref<!tpu.dma_semaphore, #tpu.memory_space<semaphore_mem>>)
        %dma_wait3A = arith.constant 0 : i32
        %dma_wait3A_70 = tpu.memref_slice %arg3[%select_n3A, %dma_wait3A] : memref<16x512xi32, #tpu.memory_space<hbm>> -> memref<1x512xi32, #tpu.memory_space<hbm>>
        %dma_wait3A_71 = tpu.memref_squeeze %dma_wait3A_70 : memref<1x512xi32, #tpu.memory_space<hbm>> -> memref<512xi32, #tpu.memory_space<hbm>>
        %dma_wait3A_72 = arith.constant 0 : i32
        %dma_wait3A_73 = tpu.memref_slice %arg3[%select_n3A, %dma_wait3A_72] : memref<16x512xi32, #tpu.memory_space<hbm>> -> memref<1x512xi32, #tpu.memory_space<hbm>>
        %dma_wait3A_74 = tpu.memref_squeeze %dma_wait3A_73 : memref<1x512xi32, #tpu.memory_space<hbm>> -> memref<512xi32, #tpu.memory_space<hbm>>
        tpu.wait_dma2 semaphore(%run_scoped3A : memref<!tpu.dma_semaphore, #tpu.memory_space<semaphore_mem>>) src(%dma_wait3A_74 : memref<512xi32, #tpu.memory_space<hbm>>) dst(%arg6 : memref<512xi32, #tpu.memory_space<vmem>>)
        tpu.yield
      }) : () -> ()
      %scan3A = arith.constant 0 : i32
      %scan3A_59 = arith.constant 0 : i32
      %scan3A_60 = arith.constant 32 : i32
      %scan3A_61 = arith.addi %scan3A_59, %scan3A_60 : i32
      %scan3A_62 = arith.constant 1 : i32
      %scan3A_63 = scf.for %scan3A_65 = %scan3A_59 to %scan3A_61 step %scan3A_62 iter_args(%scan3A_66 = %scan3A) -> (i32)  : i32 {
        %mul3A_67 = arith.constant 16 : i32
        %mul3A_68 = arith.muli %scan3A_65, %mul3A_67 : i32
        %get3A = arith.index_cast %mul3A_68 : i32 to index
        %get3A_69 = tpu.vector_load %arg6[%get3A] {strides = array<i32>} : memref<512xi32, #tpu.memory_space<vmem>>, vector<16xi32>,
        %gather3A = tpu.vector_load_idx %arg5[%get3A_69] : memref<528xf32, #tpu.memory_space<vmem>>[vector<16xi32>], vector<16xf32>,
        %mul3A_70 = arith.constant 16 : i32
        %mul3A_71 = arith.muli %scan3A_65, %mul3A_70 : i32
        %swap3A_72 = arith.index_cast %mul3A_71 : i32 to index
        %swap3A_73 = tpu.vector_load %arg7[%swap3A_72] {strides = array<i32>} : memref<512xf32, #tpu.memory_space<vmem>>, vector<16xf32>,
        tpu.vector_store %arg7[%swap3A_72], %gather3A {strides = array<i32>} : memref<512xf32, #tpu.memory_space<vmem>>, vector<16xf32>,
        %scan3A_74 = arith.constant 0 : i32
        scf.yield %scan3A_74 : i32
      }
      %scan3A_64 = arith.constant 32 : i32
      "tpu.region"() ({
        %run_scoped3A = tpu.sem_alloc : memref<!tpu.dma_semaphore, #tpu.memory_space<semaphore_mem>>
        %dma_start3A = arith.constant 0 : i32
        %dma_start3A_65 = tpu.memref_slice %arg4[%add3A_6, %dma_start3A] : memref<80x512xf32, #tpu.memory_space<hbm>> -> memref<1x512xf32, #tpu.memory_space<hbm>>
        %dma_start3A_66 = tpu.memref_squeeze %dma_start3A_65 : memref<1x512xf32, #tpu.memory_space<hbm>> -> memref<512xf32, #tpu.memory_space<hbm>>
        %dma_start3A_67 = arith.constant 0 : i32
        %dma_start3A_68 = tpu.memref_slice %arg4[%add3A_6, %dma_start3A_67] : memref<80x512xf32, #tpu.memory_space<hbm>> -> memref<1x512xf32, #tpu.memory_space<hbm>>
        %dma_start3A_69 = tpu.memref_squeeze %dma_start3A_68 : memref<1x512xf32, #tpu.memory_space<hbm>> -> memref<512xf32, #tpu.memory_space<hbm>>
        tpu.enqueue_dma source(%arg7 : memref<512xf32, #tpu.memory_space<vmem>>) target(%dma_start3A_69 : memref<512xf32, #tpu.memory_space<hbm>>) target_semaphore(%run_scoped3A : memref<!tpu.dma_semaphore, #tpu.memory_space<semaphore_mem>>)
        %dma_wait3A = arith.constant 0 : i32
        %dma_wait3A_70 = tpu.memref_slice %arg4[%add3A_6, %dma_wait3A] : memref<80x512xf32, #tpu.memory_space<hbm>> -> memref<1x512xf32, #tpu.memory_space<hbm>>
        %dma_wait3A_71 = tpu.memref_squeeze %dma_wait3A_70 : memref<1x512xf32, #tpu.memory_space<hbm>> -> memref<512xf32, #tpu.memory_space<hbm>>
        %dma_wait3A_72 = arith.constant 0 : i32
        %dma_wait3A_73 = tpu.memref_slice %arg4[%add3A_6, %dma_wait3A_72] : memref<80x512xf32, #tpu.memory_space<hbm>> -> memref<1x512xf32, #tpu.memory_space<hbm>>
        %dma_wait3A_74 = tpu.memref_squeeze %dma_wait3A_73 : memref<1x512xf32, #tpu.memory_space<hbm>> -> memref<512xf32, #tpu.memory_space<hbm>>
        tpu.wait_dma2 semaphore(%run_scoped3A : memref<!tpu.dma_semaphore, #tpu.memory_space<semaphore_mem>>) src(%arg7 : memref<512xf32, #tpu.memory_space<vmem>>) dst(%dma_wait3A_74 : memref<512xf32, #tpu.memory_space<hbm>>)
        tpu.yield
      }) : () -> ()
    } else {
    }
    %add3A_12 = arith.constant 64 : i32
    %add3A_13 = arith.addi %add3A, %add3A_12 : i32
    %lt3A_14 = arith.constant 80 : i32
    %lt3A_15 = arith.cmpi slt, %add3A_13, %lt3A_14 : i32
    %convert_element_type3A_16 = arith.extui %lt3A_15 : i1 to i32
    %cond3A_17 = arith.constant 0 : i32
    %cond3A_18 = arith.cmpi ne, %convert_element_type3A_16, %cond3A_17 : i32
    scf.if %cond3A_18 {
      %jit3A = arith.constant 5 : i32
      %div3A = arith.divsi %add3A_13, %jit3A : i32
      %sign3A = arith.constant 0 : i32
      %sign3A_19 = arith.cmpi sgt, %add3A_13, %sign3A : i32
      %sign3A_20 = arith.extui %sign3A_19 : i1 to i32
      %sign3A_21 = arith.constant 0 : i32
      %sign3A_22 = arith.cmpi slt, %add3A_13, %sign3A_21 : i32
      %sign3A_23 = arith.extui %sign3A_22 : i1 to i32
      %sign3A_24 = arith.subi %sign3A_20, %sign3A_23 : i32
      %sign3A_25 = arith.constant 0 : i32
      %sign3A_26 = arith.cmpi sgt, %jit3A, %sign3A_25 : i32
      %sign3A_27 = arith.extui %sign3A_26 : i1 to i32
      %sign3A_28 = arith.constant 0 : i32
      %sign3A_29 = arith.cmpi slt, %jit3A, %sign3A_28 : i32
      %sign3A_30 = arith.extui %sign3A_29 : i1 to i32
      %sign3A_31 = arith.subi %sign3A_27, %sign3A_30 : i32
      %ne3A = arith.cmpi ne, %sign3A_24, %sign3A_31 : i32
      %rem3A = arith.remsi %add3A_13, %jit3A : i32
      %ne3A_32 = arith.constant 0 : i32
      %ne3A_33 = arith.cmpi ne, %rem3A, %ne3A_32 : i32
      %and3A = arith.andi %ne3A, %ne3A_33 : i1
      %sub3A = arith.constant 1 : i32
      %sub3A_34 = arith.subi %div3A, %sub3A : i32
      %select_n3A = arith.select %and3A, %sub3A_34, %div3A : i32
      %jit3A_35 = arith.constant 5 : i32
      %eq3A = arith.constant 0 : i32
      %eq3A_36 = arith.cmpi eq, %jit3A_35, %eq3A : i32
      %jit3A_37 = arith.constant 1 : i32
      %select_n3A_38 = arith.select %eq3A_36, %jit3A_37, %jit3A_35 : i32
      %rem3A_39 = arith.remsi %add3A_13, %select_n3A_38 : i32
      %ne3A_40 = arith.constant 0 : i32
      %ne3A_41 = arith.cmpi ne, %rem3A_39, %ne3A_40 : i32
      %lt3A_42 = arith.constant 0 : i32
      %lt3A_43 = arith.cmpi slt, %rem3A_39, %lt3A_42 : i32
      %lt3A_44 = arith.constant 0 : i32
      %lt3A_45 = arith.cmpi slt, %select_n3A_38, %lt3A_44 : i32
      %ne3A_46 = arith.xori %lt3A_43, %lt3A_45 : i1
      %and3A_47 = arith.andi %ne3A_46, %ne3A_41 : i1
      %add3A_48 = arith.addi %rem3A_39, %select_n3A_38 : i32
      %select_n3A_49 = arith.select %and3A_47, %add3A_48, %rem3A_39 : i32
      "tpu.region"() ({
        %run_scoped3A = tpu.sem_alloc : memref<!tpu.dma_semaphore, #tpu.memory_space<semaphore_mem>>
        %dma_start3A = arith.constant 0 : i32
        %dma_start3A_65 = tpu.memref_slice %arg5[%dma_start3A] : memref<528xf32, #tpu.memory_space<vmem>> -> memref<512xf32, #tpu.memory_space<vmem>>
        %dma_start3A_66 = arith.constant 0 : i32
        %dma_start3A_67 = tpu.memref_slice %arg2[%add3A_13, %dma_start3A_66] : memref<80x512xf32, #tpu.memory_space<hbm>> -> memref<1x512xf32, #tpu.memory_space<hbm>>
        %dma_start3A_68 = tpu.memref_squeeze %dma_start3A_67 : memref<1x512xf32, #tpu.memory_space<hbm>> -> memref<512xf32, #tpu.memory_space<hbm>>
        %dma_start3A_69 = arith.constant 0 : i32
        %dma_start3A_70 = tpu.memref_slice %arg5[%dma_start3A_69] : memref<528xf32, #tpu.memory_space<vmem>> -> memref<512xf32, #tpu.memory_space<vmem>>
        %dma_start3A_71 = arith.constant 0 : i32
        %dma_start3A_72 = tpu.memref_slice %arg2[%add3A_13, %dma_start3A_71] : memref<80x512xf32, #tpu.memory_space<hbm>> -> memref<1x512xf32, #tpu.memory_space<hbm>>
        %dma_start3A_73 = tpu.memref_squeeze %dma_start3A_72 : memref<1x512xf32, #tpu.memory_space<hbm>> -> memref<512xf32, #tpu.memory_space<hbm>>
        tpu.enqueue_dma source(%dma_start3A_73 : memref<512xf32, #tpu.memory_space<hbm>>) target(%dma_start3A_70 : memref<512xf32, #tpu.memory_space<vmem>>) target_semaphore(%run_scoped3A : memref<!tpu.dma_semaphore, #tpu.memory_space<semaphore_mem>>)
        %dma_wait3A = arith.constant 0 : i32
        %dma_wait3A_74 = tpu.memref_slice %arg5[%dma_wait3A] : memref<528xf32, #tpu.memory_space<vmem>> -> memref<512xf32, #tpu.memory_space<vmem>>
        %dma_wait3A_75 = arith.constant 0 : i32
        %dma_wait3A_76 = tpu.memref_slice %arg2[%add3A_13, %dma_wait3A_75] : memref<80x512xf32, #tpu.memory_space<hbm>> -> memref<1x512xf32, #tpu.memory_space<hbm>>
        %dma_wait3A_77 = tpu.memref_squeeze %dma_wait3A_76 : memref<1x512xf32, #tpu.memory_space<hbm>> -> memref<512xf32, #tpu.memory_space<hbm>>
        %dma_wait3A_78 = arith.constant 0 : i32
        %dma_wait3A_79 = tpu.memref_slice %arg5[%dma_wait3A_78] : memref<528xf32, #tpu.memory_space<vmem>> -> memref<512xf32, #tpu.memory_space<vmem>>
        %dma_wait3A_80 = arith.constant 0 : i32
        %dma_wait3A_81 = tpu.memref_slice %arg2[%add3A_13, %dma_wait3A_80] : memref<80x512xf32, #tpu.memory_space<hbm>> -> memref<1x512xf32, #tpu.memory_space<hbm>>
        %dma_wait3A_82 = tpu.memref_squeeze %dma_wait3A_81 : memref<1x512xf32, #tpu.memory_space<hbm>> -> memref<512xf32, #tpu.memory_space<hbm>>
        tpu.wait_dma2 semaphore(%run_scoped3A : memref<!tpu.dma_semaphore, #tpu.memory_space<semaphore_mem>>) src(%dma_wait3A_82 : memref<512xf32, #tpu.memory_space<hbm>>) dst(%dma_wait3A_79 : memref<512xf32, #tpu.memory_space<vmem>>)
        tpu.yield
      }) : () -> ()
      %eq3A_50 = arith.constant 4 : i32
      %eq3A_51 = arith.cmpi eq, %select_n3A_49, %eq3A_50 : i32
      %jit3A_52 = arith.constant 0.000000e+00 : f32
      %jit3A_53 = arith.constant -1.000000e+00 : f32
      %select_n3A_54 = arith.select %eq3A_51, %jit3A_52, %jit3A_53 : f32
      %broadcast_in_dim3A = arith.constant 0.000000e+00 : f32
      %broadcast_in_dim3A_55 = vector.broadcast %broadcast_in_dim3A : f32 to vector<16xf32>
      %add3A_56 = vector.broadcast %select_n3A_54 : f32 to vector<16xf32>
      %add3A_57 = arith.addf %broadcast_in_dim3A_55, %add3A_56 : vector<16xf32>
      %swap3A = arith.constant 512 : index
      %swap3A_58 = tpu.vector_load %arg5[%swap3A] {strides = array<i32>} : memref<528xf32, #tpu.memory_space<vmem>>, vector<16xf32>,
      tpu.vector_store %arg5[%swap3A], %add3A_57 {strides = array<i32>} : memref<528xf32, #tpu.memory_space<vmem>>, vector<16xf32>,
      "tpu.region"() ({
        %run_scoped3A = tpu.sem_alloc : memref<!tpu.dma_semaphore, #tpu.memory_space<semaphore_mem>>
        %dma_start3A = arith.constant 0 : i32
        %dma_start3A_65 = tpu.memref_slice %arg3[%select_n3A, %dma_start3A] : memref<16x512xi32, #tpu.memory_space<hbm>> -> memref<1x512xi32, #tpu.memory_space<hbm>>
        %dma_start3A_66 = tpu.memref_squeeze %dma_start3A_65 : memref<1x512xi32, #tpu.memory_space<hbm>> -> memref<512xi32, #tpu.memory_space<hbm>>
        %dma_start3A_67 = arith.constant 0 : i32
        %dma_start3A_68 = tpu.memref_slice %arg3[%select_n3A, %dma_start3A_67] : memref<16x512xi32, #tpu.memory_space<hbm>> -> memref<1x512xi32, #tpu.memory_space<hbm>>
        %dma_start3A_69 = tpu.memref_squeeze %dma_start3A_68 : memref<1x512xi32, #tpu.memory_space<hbm>> -> memref<512xi32, #tpu.memory_space<hbm>>
        tpu.enqueue_dma source(%dma_start3A_69 : memref<512xi32, #tpu.memory_space<hbm>>) target(%arg6 : memref<512xi32, #tpu.memory_space<vmem>>) target_semaphore(%run_scoped3A : memref<!tpu.dma_semaphore, #tpu.memory_space<semaphore_mem>>)
        %dma_wait3A = arith.constant 0 : i32
        %dma_wait3A_70 = tpu.memref_slice %arg3[%select_n3A, %dma_wait3A] : memref<16x512xi32, #tpu.memory_space<hbm>> -> memref<1x512xi32, #tpu.memory_space<hbm>>
        %dma_wait3A_71 = tpu.memref_squeeze %dma_wait3A_70 : memref<1x512xi32, #tpu.memory_space<hbm>> -> memref<512xi32, #tpu.memory_space<hbm>>
        %dma_wait3A_72 = arith.constant 0 : i32
        %dma_wait3A_73 = tpu.memref_slice %arg3[%select_n3A, %dma_wait3A_72] : memref<16x512xi32, #tpu.memory_space<hbm>> -> memref<1x512xi32, #tpu.memory_space<hbm>>
        %dma_wait3A_74 = tpu.memref_squeeze %dma_wait3A_73 : memref<1x512xi32, #tpu.memory_space<hbm>> -> memref<512xi32, #tpu.memory_space<hbm>>
        tpu.wait_dma2 semaphore(%run_scoped3A : memref<!tpu.dma_semaphore, #tpu.memory_space<semaphore_mem>>) src(%dma_wait3A_74 : memref<512xi32, #tpu.memory_space<hbm>>) dst(%arg6 : memref<512xi32, #tpu.memory_space<vmem>>)
        tpu.yield
      }) : () -> ()
      %scan3A = arith.constant 0 : i32
      %scan3A_59 = arith.constant 0 : i32
      %scan3A_60 = arith.constant 32 : i32
      %scan3A_61 = arith.addi %scan3A_59, %scan3A_60 : i32
      %scan3A_62 = arith.constant 1 : i32
      %scan3A_63 = scf.for %scan3A_65 = %scan3A_59 to %scan3A_61 step %scan3A_62 iter_args(%scan3A_66 = %scan3A) -> (i32)  : i32 {
        %mul3A_67 = arith.constant 16 : i32
        %mul3A_68 = arith.muli %scan3A_65, %mul3A_67 : i32
        %get3A = arith.index_cast %mul3A_68 : i32 to index
        %get3A_69 = tpu.vector_load %arg6[%get3A] {strides = array<i32>} : memref<512xi32, #tpu.memory_space<vmem>>, vector<16xi32>,
        %gather3A = tpu.vector_load_idx %arg5[%get3A_69] : memref<528xf32, #tpu.memory_space<vmem>>[vector<16xi32>], vector<16xf32>,
        %mul3A_70 = arith.constant 16 : i32
        %mul3A_71 = arith.muli %scan3A_65, %mul3A_70 : i32
        %swap3A_72 = arith.index_cast %mul3A_71 : i32 to index
        %swap3A_73 = tpu.vector_load %arg7[%swap3A_72] {strides = array<i32>} : memref<512xf32, #tpu.memory_space<vmem>>, vector<16xf32>,
        tpu.vector_store %arg7[%swap3A_72], %gather3A {strides = array<i32>} : memref<512xf32, #tpu.memory_space<vmem>>, vector<16xf32>,
        %scan3A_74 = arith.constant 0 : i32
        scf.yield %scan3A_74 : i32
      }
      %scan3A_64 = arith.constant 32 : i32
      "tpu.region"() ({
        %run_scoped3A = tpu.sem_alloc : memref<!tpu.dma_semaphore, #tpu.memory_space<semaphore_mem>>
        %dma_start3A = arith.constant 0 : i32
        %dma_start3A_65 = tpu.memref_slice %arg4[%add3A_13, %dma_start3A] : memref<80x512xf32, #tpu.memory_space<hbm>> -> memref<1x512xf32, #tpu.memory_space<hbm>>
        %dma_start3A_66 = tpu.memref_squeeze %dma_start3A_65 : memref<1x512xf32, #tpu.memory_space<hbm>> -> memref<512xf32, #tpu.memory_space<hbm>>
        %dma_start3A_67 = arith.constant 0 : i32
        %dma_start3A_68 = tpu.memref_slice %arg4[%add3A_13, %dma_start3A_67] : memref<80x512xf32, #tpu.memory_space<hbm>> -> memref<1x512xf32, #tpu.memory_space<hbm>>
        %dma_start3A_69 = tpu.memref_squeeze %dma_start3A_68 : memref<1x512xf32, #tpu.memory_space<hbm>> -> memref<512xf32, #tpu.memory_space<hbm>>
        tpu.enqueue_dma source(%arg7 : memref<512xf32, #tpu.memory_space<vmem>>) target(%dma_start3A_69 : memref<512xf32, #tpu.memory_space<hbm>>) target_semaphore(%run_scoped3A : memref<!tpu.dma_semaphore, #tpu.memory_space<semaphore_mem>>)
        %dma_wait3A = arith.constant 0 : i32
        %dma_wait3A_70 = tpu.memref_slice %arg4[%add3A_13, %dma_wait3A] : memref<80x512xf32, #tpu.memory_space<hbm>> -> memref<1x512xf32, #tpu.memory_space<hbm>>
        %dma_wait3A_71 = tpu.memref_squeeze %dma_wait3A_70 : memref<1x512xf32, #tpu.memory_space<hbm>> -> memref<512xf32, #tpu.memory_space<hbm>>
        %dma_wait3A_72 = arith.constant 0 : i32
        %dma_wait3A_73 = tpu.memref_slice %arg4[%add3A_13, %dma_wait3A_72] : memref<80x512xf32, #tpu.memory_space<hbm>> -> memref<1x512xf32, #tpu.memory_space<hbm>>
        %dma_wait3A_74 = tpu.memref_squeeze %dma_wait3A_73 : memref<1x512xf32, #tpu.memory_space<hbm>> -> memref<512xf32, #tpu.memory_space<hbm>>
        tpu.wait_dma2 semaphore(%run_scoped3A : memref<!tpu.dma_semaphore, #tpu.memory_space<semaphore_mem>>) src(%arg7 : memref<512xf32, #tpu.memory_space<vmem>>) dst(%dma_wait3A_74 : memref<512xf32, #tpu.memory_space<hbm>>)
        tpu.yield
      }) : () -> ()
    } else {
    }
    return
  }
}

module attributes {stable_mosaic.version = 14 : i64} {
  func.func @_ransac_tc_kernel(%arg0: i32, %arg1: memref<1x2x512xf32, #tpu.memory_space<vmem>>, %arg2: memref<1x2x512xf32, #tpu.memory_space<vmem>>, %arg3: memref<1x512x2xf32, #tpu.memory_space<vmem>>, %arg4: memref<1x512x2xf32, #tpu.memory_space<vmem>>, %arg5: memref<1x512x1xf32, #tpu.memory_space<vmem>>, %arg6: memref<1x1x512xf32, #tpu.memory_space<vmem>>, %arg7: memref<1x1x512xf32, #tpu.memory_space<vmem>>, %arg8: memref<1x1x512xf32, #tpu.memory_space<vmem>>, %arg9: memref<1x3x3xf32, #tpu.memory_space<vmem>>, %arg10: memref<1x1x1xf32, #tpu.memory_space<vmem>>, %arg11: memref<1x1x512xi32, #tpu.memory_space<vmem>>, %arg12: memref<512x512xf32, #tpu.memory_space<vmem>>, %arg13: memref<512x512xf32, #tpu.memory_space<vmem>>, %arg14: memref<512x512xf32, #tpu.memory_space<vmem>>, %arg15: memref<512x512xf32, #tpu.memory_space<vmem>>) attributes {dimension_semantics = [#tpu.dimension_semantics<arbitrary>], iteration_bounds = array<i64: 16>, scalar_prefetch = 0 : i64, scratch_operands = 4 : i64, tpu.core_type = #tpu.core_type<tc>, window_params = [{transform_indices = @transform_0, window_bounds = array<i64: 1, 2, 512>}, {transform_indices = @transform_1, window_bounds = array<i64: 1, 2, 512>}, {transform_indices = @transform_2, window_bounds = array<i64: 1, 512, 2>}, {transform_indices = @transform_3, window_bounds = array<i64: 1, 512, 2>}, {transform_indices = @transform_4, window_bounds = array<i64: 1, 512, 1>}, {transform_indices = @transform_5, window_bounds = array<i64: 1, 1, 512>}, {transform_indices = @transform_6, window_bounds = array<i64: 1, 1, 512>}, {transform_indices = @transform_7, window_bounds = array<i64: 1, 1, 512>}, {transform_indices = @transform_8, window_bounds = array<i64: 1, 3, 3>}, {transform_indices = @transform_9, window_bounds = array<i64: 1, 1, 1>}, {transform_indices = @transform_10, window_bounds = array<i64: 1, 1, 512>}]} {
    %eq3A = arith.constant 0 : i32
    %eq3A_0 = arith.cmpi eq, %arg0, %eq3A : i32
    %convert_element_type3A = arith.extui %eq3A_0 : i1 to i32
    %cond3A = arith.constant 0 : i32
    %cond3A_1 = arith.cmpi ne, %convert_element_type3A, %cond3A : i32
    scf.if %cond3A_1 {
      %iota3A_972 = tpu.iota {dimensions = array<i32: 0>} : vector<512x512xi32>
      %iota3A_973 = tpu.iota {dimensions = array<i32: 1>} : vector<512x512xi32>
      %le3A_974 = arith.cmpi sle, %iota3A_973, %iota3A_972 : vector<512x512xi32>
      %convert_element_type3A_975 = arith.extui %le3A_974 : vector<512x512xi1> to vector<512x512xi32>
      %convert_element_type3A_976 = arith.sitofp %convert_element_type3A_975 : vector<512x512xi32> to vector<512x512xf32>
      %swap3A_977 = arith.constant 0 : index
      %swap3A_978 = arith.constant 0 : index
      %swap3A_979 = vector.load %arg13[%swap3A_977, %swap3A_978] : memref<512x512xf32, #tpu.memory_space<vmem>>, vector<512x512xf32>
      tpu.vector_store %arg13[%swap3A_977, %swap3A_978], %convert_element_type3A_976 {strides = array<i32>} : memref<512x512xf32, #tpu.memory_space<vmem>>, vector<512x512xf32>,
      %add3A_980 = arith.constant 1 : i32
      %add3A_981 = vector.broadcast %add3A_980 : i32 to vector<512x512xi32>
      %add3A_982 = arith.addi %iota3A_973, %add3A_981 : vector<512x512xi32>
      %convert_element_type3A_983 = arith.sitofp %add3A_982 : vector<512x512xi32> to vector<512x512xf32>
      %swap3A_984 = arith.constant 0 : index
      %swap3A_985 = arith.constant 0 : index
      %swap3A_986 = vector.load %arg14[%swap3A_984, %swap3A_985] : memref<512x512xf32, #tpu.memory_space<vmem>>, vector<512x512xf32>
      tpu.vector_store %arg14[%swap3A_984, %swap3A_985], %convert_element_type3A_983 {strides = array<i32>} : memref<512x512xf32, #tpu.memory_space<vmem>>, vector<512x512xf32>,
      %convert_element_type3A_987 = arith.sitofp %iota3A_972 : vector<512x512xi32> to vector<512x512xf32>
      %swap3A_988 = arith.constant 0 : index
      %swap3A_989 = arith.constant 0 : index
      %swap3A_990 = vector.load %arg15[%swap3A_988, %swap3A_989] : memref<512x512xf32, #tpu.memory_space<vmem>>, vector<512x512xf32>
      tpu.vector_store %arg15[%swap3A_988, %swap3A_989], %convert_element_type3A_987 {strides = array<i32>} : memref<512x512xf32, #tpu.memory_space<vmem>>, vector<512x512xf32>,
    } else {
    }
    %get3A = arith.constant 0 : index
    %get3A_2 = arith.constant 0 : index
    %get3A_3 = arith.constant 0 : index
    %get3A_4 = vector.load %arg1[%get3A, %get3A_2, %get3A_3] : memref<1x2x512xf32, #tpu.memory_space<vmem>>, vector<1x1x512xf32>
    %get3A_5 = vector.shape_cast %get3A_4 : vector<1x1x512xf32> to vector<1x512xf32>
    %mul3A = arith.constant 1.400000e+01 : f32
    %mul3A_6 = vector.broadcast %mul3A : f32 to vector<1x512xf32>
    %mul3A_7 = arith.mulf %get3A_5, %mul3A_6 : vector<1x512xf32>
    %get3A_8 = arith.constant 0 : index
    %get3A_9 = arith.constant 1 : index
    %get3A_10 = arith.constant 0 : index
    %get3A_11 = vector.load %arg1[%get3A_8, %get3A_9, %get3A_10] : memref<1x2x512xf32, #tpu.memory_space<vmem>>, vector<1x1x512xf32>
    %get3A_12 = vector.shape_cast %get3A_11 : vector<1x1x512xf32> to vector<1x512xf32>
    %mul3A_13 = arith.constant 1.400000e+01 : f32
    %mul3A_14 = vector.broadcast %mul3A_13 : f32 to vector<1x512xf32>
    %mul3A_15 = arith.mulf %get3A_12, %mul3A_14 : vector<1x512xf32>
    %get3A_16 = arith.constant 0 : index
    %get3A_17 = arith.constant 0 : index
    %get3A_18 = arith.constant 0 : index
    %get3A_19 = vector.load %arg2[%get3A_16, %get3A_17, %get3A_18] : memref<1x2x512xf32, #tpu.memory_space<vmem>>, vector<1x1x512xf32>
    %get3A_20 = vector.shape_cast %get3A_19 : vector<1x1x512xf32> to vector<1x512xf32>
    %mul3A_21 = arith.constant 1.400000e+01 : f32
    %mul3A_22 = vector.broadcast %mul3A_21 : f32 to vector<1x512xf32>
    %mul3A_23 = arith.mulf %get3A_20, %mul3A_22 : vector<1x512xf32>
    %get3A_24 = arith.constant 0 : index
    %get3A_25 = arith.constant 1 : index
    %get3A_26 = arith.constant 0 : index
    %get3A_27 = vector.load %arg2[%get3A_24, %get3A_25, %get3A_26] : memref<1x2x512xf32, #tpu.memory_space<vmem>>, vector<1x1x512xf32>
    %get3A_28 = vector.shape_cast %get3A_27 : vector<1x1x512xf32> to vector<1x512xf32>
    %mul3A_29 = arith.constant 1.400000e+01 : f32
    %mul3A_30 = vector.broadcast %mul3A_29 : f32 to vector<1x512xf32>
    %mul3A_31 = arith.mulf %get3A_28, %mul3A_30 : vector<1x512xf32>
    %get3A_32 = arith.constant 0 : index
    %get3A_33 = arith.constant 0 : index
    %get3A_34 = arith.constant 0 : index
    %get3A_35 = vector.load %arg7[%get3A_32, %get3A_33, %get3A_34] : memref<1x1x512xf32, #tpu.memory_space<vmem>>, vector<1x1x512xf32>
    %get3A_36 = vector.shape_cast %get3A_35 : vector<1x1x512xf32> to vector<1x512xf32>
    %get3A_37 = arith.constant 0 : index
    %get3A_38 = arith.constant 0 : index
    %get3A_39 = arith.constant 0 : index
    %get3A_40 = vector.load %arg8[%get3A_37, %get3A_38, %get3A_39] : memref<1x1x512xf32, #tpu.memory_space<vmem>>, vector<1x1x512xf32>
    %get3A_41 = vector.shape_cast %get3A_40 : vector<1x1x512xf32> to vector<1x512xf32>
    %get3A_42 = arith.constant 0 : index
    %get3A_43 = arith.constant 0 : index
    %get3A_44 = arith.constant 0 : index
    %get3A_45 = vector.load %arg6[%get3A_42, %get3A_43, %get3A_44] : memref<1x1x512xf32, #tpu.memory_space<vmem>>, vector<1x1x512xf32>
    %get3A_46 = vector.shape_cast %get3A_45 : vector<1x1x512xf32> to vector<1x512xf32>
    %mul3A_47 = arith.mulf %get3A_46, %get3A_36 : vector<1x512xf32>
    %mul3A_48 = arith.mulf %get3A_46, %get3A_41 : vector<1x512xf32>
    %neg3A = arith.constant 0.000000e+00 : f32
    %neg3A_49 = vector.broadcast %neg3A : f32 to vector<1x512xf32>
    %neg3A_50 = arith.subf %neg3A_49, %mul3A_48 : vector<1x512xf32>
    %mul3A_51 = arith.mulf %get3A_46, %get3A_41 : vector<1x512xf32>
    %mul3A_52 = arith.mulf %mul3A_47, %mul3A_7 : vector<1x512xf32>
    %mul3A_53 = arith.mulf %neg3A_50, %mul3A_15 : vector<1x512xf32>
    %add3A = arith.addf %mul3A_52, %mul3A_53 : vector<1x512xf32>
    %sub3A = arith.subf %mul3A_23, %add3A : vector<1x512xf32>
    %mul3A_54 = arith.mulf %mul3A_51, %mul3A_7 : vector<1x512xf32>
    %mul3A_55 = arith.mulf %mul3A_47, %mul3A_15 : vector<1x512xf32>
    %add3A_56 = arith.addf %mul3A_54, %mul3A_55 : vector<1x512xf32>
    %sub3A_57 = arith.subf %mul3A_31, %add3A_56 : vector<1x512xf32>
    %convert_element_type3A_58 = arith.truncf %mul3A_47 : vector<1x512xf32> to vector<1x512xbf16>
    %convert_element_type3A_59 = arith.extf %convert_element_type3A_58 : vector<1x512xbf16> to vector<1x512xf32>
    %convert_element_type3A_60 = arith.truncf %neg3A_50 : vector<1x512xf32> to vector<1x512xbf16>
    %convert_element_type3A_61 = arith.extf %convert_element_type3A_60 : vector<1x512xbf16> to vector<1x512xf32>
    %convert_element_type3A_62 = arith.truncf %mul3A_51 : vector<1x512xf32> to vector<1x512xbf16>
    %convert_element_type3A_63 = arith.extf %convert_element_type3A_62 : vector<1x512xbf16> to vector<1x512xf32>
    %broadcast_in_dim3A = arith.constant 0.000000e+00 : f32
    %broadcast_in_dim3A_64 = vector.broadcast %broadcast_in_dim3A : f32 to vector<1x512xf32>
    %get3A_65 = arith.constant 0 : index
    %get3A_66 = arith.constant 0 : index
    %get3A_67 = arith.constant 0 : index
    %get3A_68 = vector.load %arg3[%get3A_65, %get3A_66, %get3A_67] : memref<1x512x2xf32, #tpu.memory_space<vmem>>, vector<1x64x1xf32>
    %get3A_69 = vector.shape_cast %get3A_68 : vector<1x64x1xf32> to vector<64x1xf32>
    %mul3A_70 = arith.constant 1.400000e+01 : f32
    %mul3A_71 = vector.broadcast %mul3A_70 : f32 to vector<64x1xf32>
    %mul3A_72 = arith.mulf %get3A_69, %mul3A_71 : vector<64x1xf32>
    %convert_element_type3A_73 = arith.truncf %mul3A_72 : vector<64x1xf32> to vector<64x1xbf16>
    %convert_element_type3A_74 = arith.extf %convert_element_type3A_73 : vector<64x1xbf16> to vector<64x1xf32>
    %get3A_75 = arith.constant 0 : index
    %get3A_76 = arith.constant 0 : index
    %get3A_77 = arith.constant 1 : index
    %get3A_78 = vector.load %arg3[%get3A_75, %get3A_76, %get3A_77] : memref<1x512x2xf32, #tpu.memory_space<vmem>>, vector<1x64x1xf32>
    %get3A_79 = vector.shape_cast %get3A_78 : vector<1x64x1xf32> to vector<64x1xf32>
    %mul3A_80 = arith.constant 1.400000e+01 : f32
    %mul3A_81 = vector.broadcast %mul3A_80 : f32 to vector<64x1xf32>
    %mul3A_82 = arith.mulf %get3A_79, %mul3A_81 : vector<64x1xf32>
    %convert_element_type3A_83 = arith.truncf %mul3A_82 : vector<64x1xf32> to vector<64x1xbf16>
    %convert_element_type3A_84 = arith.extf %convert_element_type3A_83 : vector<64x1xbf16> to vector<64x1xf32>
    %get3A_85 = arith.constant 0 : index
    %get3A_86 = arith.constant 0 : index
    %get3A_87 = arith.constant 0 : index
    %get3A_88 = vector.load %arg4[%get3A_85, %get3A_86, %get3A_87] : memref<1x512x2xf32, #tpu.memory_space<vmem>>, vector<1x64x1xf32>
    %get3A_89 = vector.shape_cast %get3A_88 : vector<1x64x1xf32> to vector<64x1xf32>
    %mul3A_90 = arith.constant 1.400000e+01 : f32
    %mul3A_91 = vector.broadcast %mul3A_90 : f32 to vector<64x1xf32>
    %mul3A_92 = arith.mulf %get3A_89, %mul3A_91 : vector<64x1xf32>
    %get3A_93 = arith.constant 0 : index
    %get3A_94 = arith.constant 0 : index
    %get3A_95 = arith.constant 1 : index
    %get3A_96 = vector.load %arg4[%get3A_93, %get3A_94, %get3A_95] : memref<1x512x2xf32, #tpu.memory_space<vmem>>, vector<1x64x1xf32>
    %get3A_97 = vector.shape_cast %get3A_96 : vector<1x64x1xf32> to vector<64x1xf32>
    %mul3A_98 = arith.constant 1.400000e+01 : f32
    %mul3A_99 = vector.broadcast %mul3A_98 : f32 to vector<64x1xf32>
    %mul3A_100 = arith.mulf %get3A_97, %mul3A_99 : vector<64x1xf32>
    %mul3A_101 = vector.broadcast %convert_element_type3A_59 : vector<1x512xf32> to vector<64x512xf32>
    %mul3A_102 = vector.broadcast %convert_element_type3A_74 : vector<64x1xf32> to vector<64x512xf32>
    %mul3A_103 = arith.mulf %mul3A_101, %mul3A_102 : vector<64x512xf32>
    %mul3A_104 = vector.broadcast %convert_element_type3A_61 : vector<1x512xf32> to vector<64x512xf32>
    %mul3A_105 = vector.broadcast %convert_element_type3A_84 : vector<64x1xf32> to vector<64x512xf32>
    %mul3A_106 = arith.mulf %mul3A_104, %mul3A_105 : vector<64x512xf32>
    %add3A_107 = arith.addf %mul3A_103, %mul3A_106 : vector<64x512xf32>
    %add3A_108 = vector.broadcast %sub3A : vector<1x512xf32> to vector<64x512xf32>
    %add3A_109 = arith.addf %add3A_107, %add3A_108 : vector<64x512xf32>
    %mul3A_110 = vector.broadcast %convert_element_type3A_63 : vector<1x512xf32> to vector<64x512xf32>
    %mul3A_111 = vector.broadcast %convert_element_type3A_74 : vector<64x1xf32> to vector<64x512xf32>
    %mul3A_112 = arith.mulf %mul3A_110, %mul3A_111 : vector<64x512xf32>
    %mul3A_113 = vector.broadcast %convert_element_type3A_59 : vector<1x512xf32> to vector<64x512xf32>
    %mul3A_114 = vector.broadcast %convert_element_type3A_84 : vector<64x1xf32> to vector<64x512xf32>
    %mul3A_115 = arith.mulf %mul3A_113, %mul3A_114 : vector<64x512xf32>
    %add3A_116 = arith.addf %mul3A_112, %mul3A_115 : vector<64x512xf32>
    %add3A_117 = vector.broadcast %sub3A_57 : vector<1x512xf32> to vector<64x512xf32>
    %add3A_118 = arith.addf %add3A_116, %add3A_117 : vector<64x512xf32>
    %sub3A_119 = vector.broadcast %mul3A_92 : vector<64x1xf32> to vector<64x512xf32>
    %sub3A_120 = arith.subf %sub3A_119, %add3A_109 : vector<64x512xf32>
    %sub3A_121 = vector.broadcast %mul3A_100 : vector<64x1xf32> to vector<64x512xf32>
    %sub3A_122 = arith.subf %sub3A_121, %add3A_118 : vector<64x512xf32>
    %mul3A_123 = arith.mulf %sub3A_120, %sub3A_120 : vector<64x512xf32>
    %mul3A_124 = arith.mulf %sub3A_122, %sub3A_122 : vector<64x512xf32>
    %add3A_125 = arith.addf %mul3A_123, %mul3A_124 : vector<64x512xf32>
    %swap3A = arith.constant 0 : index
    %swap3A_126 = arith.constant 0 : index
    %swap3A_127 = vector.load %arg12[%swap3A, %swap3A_126] : memref<512x512xf32, #tpu.memory_space<vmem>>, vector<64x512xf32>
    tpu.vector_store %arg12[%swap3A, %swap3A_126], %add3A_125 {strides = array<i32>} : memref<512x512xf32, #tpu.memory_space<vmem>>, vector<64x512xf32>,
    %iota3A = tpu.iota {dimensions = array<i32: 0>} : vector<64x1xi32>
    %add3A_128 = arith.constant 0 : i32
    %add3A_129 = vector.broadcast %add3A_128 : i32 to vector<64x1xi32>
    %add3A_130 = arith.addi %add3A_129, %iota3A : vector<64x1xi32>
    %iota3A_131 = tpu.iota {dimensions = array<i32: 1>} : vector<64x512xi32>
    %le3A = arith.constant 25.0000019 : f32
    %le3A_132 = vector.broadcast %le3A : f32 to vector<64x512xf32>
    %le3A_133 = arith.cmpf ole, %add3A_125, %le3A_132 : vector<64x512xf32>
    %ne3A = vector.broadcast %add3A_130 : vector<64x1xi32> to vector<64x512xi32>
    %ne3A_134 = arith.cmpi ne, %iota3A_131, %ne3A : vector<64x512xi32>
    %and3A = arith.andi %le3A_133, %ne3A_134 : vector<64x512xi1>
    %get3A_135 = arith.constant 0 : index
    %get3A_136 = arith.constant 0 : index
    %get3A_137 = arith.constant 0 : index
    %get3A_138 = vector.load %arg5[%get3A_135, %get3A_136, %get3A_137] : memref<1x512x1xf32, #tpu.memory_space<vmem>>, vector<1x64x1xf32>
    %get3A_139 = vector.shape_cast %get3A_138 : vector<1x64x1xf32> to vector<64x1xf32>
    %jit3A = arith.constant 0.000000e+00 : f32
    %broadcast_in_dim3A_140 = vector.shape_cast %get3A_139 : vector<64x1xf32> to vector<64x1xf32>
    %broadcast_in_dim3A_141 = vector.broadcast %broadcast_in_dim3A_140 : vector<64x1xf32> to vector<64x512xf32>
    %broadcast_in_dim3A_142 = vector.broadcast %jit3A : f32 to vector<64x512xf32>
    %select_n3A = arith.select %and3A, %broadcast_in_dim3A_141, %broadcast_in_dim3A_142 : vector<64x512xi1>, vector<64x512xf32>
    %reduce_sum3A = arith.constant dense<0.000000e+00> : vector<512xf32>
    %reduce_sum3A_143 = vector.multi_reduction <add>, %select_n3A, %reduce_sum3A [0] : vector<64x512xf32> to vector<512xf32>
    %broadcast_in_dim3A_144 = vector.shape_cast %reduce_sum3A_143 : vector<512xf32> to vector<1x512xf32>
    %add3A_145 = arith.addf %broadcast_in_dim3A_64, %broadcast_in_dim3A_144 : vector<1x512xf32>
    %get3A_146 = arith.constant 0 : index
    %get3A_147 = arith.constant 64 : index
    %get3A_148 = arith.constant 0 : index
    %get3A_149 = vector.load %arg3[%get3A_146, %get3A_147, %get3A_148] : memref<1x512x2xf32, #tpu.memory_space<vmem>>, vector<1x64x1xf32>
    %get3A_150 = vector.shape_cast %get3A_149 : vector<1x64x1xf32> to vector<64x1xf32>
    %mul3A_151 = arith.constant 1.400000e+01 : f32
    %mul3A_152 = vector.broadcast %mul3A_151 : f32 to vector<64x1xf32>
    %mul3A_153 = arith.mulf %get3A_150, %mul3A_152 : vector<64x1xf32>
    %convert_element_type3A_154 = arith.truncf %mul3A_153 : vector<64x1xf32> to vector<64x1xbf16>
    %convert_element_type3A_155 = arith.extf %convert_element_type3A_154 : vector<64x1xbf16> to vector<64x1xf32>
    %get3A_156 = arith.constant 0 : index
    %get3A_157 = arith.constant 64 : index
    %get3A_158 = arith.constant 1 : index
    %get3A_159 = vector.load %arg3[%get3A_156, %get3A_157, %get3A_158] : memref<1x512x2xf32, #tpu.memory_space<vmem>>, vector<1x64x1xf32>
    %get3A_160 = vector.shape_cast %get3A_159 : vector<1x64x1xf32> to vector<64x1xf32>
    %mul3A_161 = arith.constant 1.400000e+01 : f32
    %mul3A_162 = vector.broadcast %mul3A_161 : f32 to vector<64x1xf32>
    %mul3A_163 = arith.mulf %get3A_160, %mul3A_162 : vector<64x1xf32>
    %convert_element_type3A_164 = arith.truncf %mul3A_163 : vector<64x1xf32> to vector<64x1xbf16>
    %convert_element_type3A_165 = arith.extf %convert_element_type3A_164 : vector<64x1xbf16> to vector<64x1xf32>
    %get3A_166 = arith.constant 0 : index
    %get3A_167 = arith.constant 64 : index
    %get3A_168 = arith.constant 0 : index
    %get3A_169 = vector.load %arg4[%get3A_166, %get3A_167, %get3A_168] : memref<1x512x2xf32, #tpu.memory_space<vmem>>, vector<1x64x1xf32>
    %get3A_170 = vector.shape_cast %get3A_169 : vector<1x64x1xf32> to vector<64x1xf32>
    %mul3A_171 = arith.constant 1.400000e+01 : f32
    %mul3A_172 = vector.broadcast %mul3A_171 : f32 to vector<64x1xf32>
    %mul3A_173 = arith.mulf %get3A_170, %mul3A_172 : vector<64x1xf32>
    %get3A_174 = arith.constant 0 : index
    %get3A_175 = arith.constant 64 : index
    %get3A_176 = arith.constant 1 : index
    %get3A_177 = vector.load %arg4[%get3A_174, %get3A_175, %get3A_176] : memref<1x512x2xf32, #tpu.memory_space<vmem>>, vector<1x64x1xf32>
    %get3A_178 = vector.shape_cast %get3A_177 : vector<1x64x1xf32> to vector<64x1xf32>
    %mul3A_179 = arith.constant 1.400000e+01 : f32
    %mul3A_180 = vector.broadcast %mul3A_179 : f32 to vector<64x1xf32>
    %mul3A_181 = arith.mulf %get3A_178, %mul3A_180 : vector<64x1xf32>
    %mul3A_182 = vector.broadcast %convert_element_type3A_59 : vector<1x512xf32> to vector<64x512xf32>
    %mul3A_183 = vector.broadcast %convert_element_type3A_155 : vector<64x1xf32> to vector<64x512xf32>
    %mul3A_184 = arith.mulf %mul3A_182, %mul3A_183 : vector<64x512xf32>
    %mul3A_185 = vector.broadcast %convert_element_type3A_61 : vector<1x512xf32> to vector<64x512xf32>
    %mul3A_186 = vector.broadcast %convert_element_type3A_165 : vector<64x1xf32> to vector<64x512xf32>
    %mul3A_187 = arith.mulf %mul3A_185, %mul3A_186 : vector<64x512xf32>
    %add3A_188 = arith.addf %mul3A_184, %mul3A_187 : vector<64x512xf32>
    %add3A_189 = vector.broadcast %sub3A : vector<1x512xf32> to vector<64x512xf32>
    %add3A_190 = arith.addf %add3A_188, %add3A_189 : vector<64x512xf32>
    %mul3A_191 = vector.broadcast %convert_element_type3A_63 : vector<1x512xf32> to vector<64x512xf32>
    %mul3A_192 = vector.broadcast %convert_element_type3A_155 : vector<64x1xf32> to vector<64x512xf32>
    %mul3A_193 = arith.mulf %mul3A_191, %mul3A_192 : vector<64x512xf32>
    %mul3A_194 = vector.broadcast %convert_element_type3A_59 : vector<1x512xf32> to vector<64x512xf32>
    %mul3A_195 = vector.broadcast %convert_element_type3A_165 : vector<64x1xf32> to vector<64x512xf32>
    %mul3A_196 = arith.mulf %mul3A_194, %mul3A_195 : vector<64x512xf32>
    %add3A_197 = arith.addf %mul3A_193, %mul3A_196 : vector<64x512xf32>
    %add3A_198 = vector.broadcast %sub3A_57 : vector<1x512xf32> to vector<64x512xf32>
    %add3A_199 = arith.addf %add3A_197, %add3A_198 : vector<64x512xf32>
    %sub3A_200 = vector.broadcast %mul3A_173 : vector<64x1xf32> to vector<64x512xf32>
    %sub3A_201 = arith.subf %sub3A_200, %add3A_190 : vector<64x512xf32>
    %sub3A_202 = vector.broadcast %mul3A_181 : vector<64x1xf32> to vector<64x512xf32>
    %sub3A_203 = arith.subf %sub3A_202, %add3A_199 : vector<64x512xf32>
    %mul3A_204 = arith.mulf %sub3A_201, %sub3A_201 : vector<64x512xf32>
    %mul3A_205 = arith.mulf %sub3A_203, %sub3A_203 : vector<64x512xf32>
    %add3A_206 = arith.addf %mul3A_204, %mul3A_205 : vector<64x512xf32>
    %swap3A_207 = arith.constant 64 : index
    %swap3A_208 = arith.constant 0 : index
    %swap3A_209 = vector.load %arg12[%swap3A_207, %swap3A_208] : memref<512x512xf32, #tpu.memory_space<vmem>>, vector<64x512xf32>
    tpu.vector_store %arg12[%swap3A_207, %swap3A_208], %add3A_206 {strides = array<i32>} : memref<512x512xf32, #tpu.memory_space<vmem>>, vector<64x512xf32>,
    %iota3A_210 = tpu.iota {dimensions = array<i32: 0>} : vector<64x1xi32>
    %add3A_211 = arith.constant 64 : i32
    %add3A_212 = vector.broadcast %add3A_211 : i32 to vector<64x1xi32>
    %add3A_213 = arith.addi %add3A_212, %iota3A_210 : vector<64x1xi32>
    %iota3A_214 = tpu.iota {dimensions = array<i32: 1>} : vector<64x512xi32>
    %le3A_215 = arith.constant 25.0000019 : f32
    %le3A_216 = vector.broadcast %le3A_215 : f32 to vector<64x512xf32>
    %le3A_217 = arith.cmpf ole, %add3A_206, %le3A_216 : vector<64x512xf32>
    %ne3A_218 = vector.broadcast %add3A_213 : vector<64x1xi32> to vector<64x512xi32>
    %ne3A_219 = arith.cmpi ne, %iota3A_214, %ne3A_218 : vector<64x512xi32>
    %and3A_220 = arith.andi %le3A_217, %ne3A_219 : vector<64x512xi1>
    %get3A_221 = arith.constant 0 : index
    %get3A_222 = arith.constant 64 : index
    %get3A_223 = arith.constant 0 : index
    %get3A_224 = vector.load %arg5[%get3A_221, %get3A_222, %get3A_223] : memref<1x512x1xf32, #tpu.memory_space<vmem>>, vector<1x64x1xf32>
    %get3A_225 = vector.shape_cast %get3A_224 : vector<1x64x1xf32> to vector<64x1xf32>
    %jit3A_226 = arith.constant 0.000000e+00 : f32
    %broadcast_in_dim3A_227 = vector.shape_cast %get3A_225 : vector<64x1xf32> to vector<64x1xf32>
    %broadcast_in_dim3A_228 = vector.broadcast %broadcast_in_dim3A_227 : vector<64x1xf32> to vector<64x512xf32>
    %broadcast_in_dim3A_229 = vector.broadcast %jit3A_226 : f32 to vector<64x512xf32>
    %select_n3A_230 = arith.select %and3A_220, %broadcast_in_dim3A_228, %broadcast_in_dim3A_229 : vector<64x512xi1>, vector<64x512xf32>
    %reduce_sum3A_231 = arith.constant dense<0.000000e+00> : vector<512xf32>
    %reduce_sum3A_232 = vector.multi_reduction <add>, %select_n3A_230, %reduce_sum3A_231 [0] : vector<64x512xf32> to vector<512xf32>
    %broadcast_in_dim3A_233 = vector.shape_cast %reduce_sum3A_232 : vector<512xf32> to vector<1x512xf32>
    %add3A_234 = arith.addf %add3A_145, %broadcast_in_dim3A_233 : vector<1x512xf32>
    %get3A_235 = arith.constant 0 : index
    %get3A_236 = arith.constant 128 : index
    %get3A_237 = arith.constant 0 : index
    %get3A_238 = vector.load %arg3[%get3A_235, %get3A_236, %get3A_237] : memref<1x512x2xf32, #tpu.memory_space<vmem>>, vector<1x64x1xf32>
    %get3A_239 = vector.shape_cast %get3A_238 : vector<1x64x1xf32> to vector<64x1xf32>
    %mul3A_240 = arith.constant 1.400000e+01 : f32
    %mul3A_241 = vector.broadcast %mul3A_240 : f32 to vector<64x1xf32>
    %mul3A_242 = arith.mulf %get3A_239, %mul3A_241 : vector<64x1xf32>
    %convert_element_type3A_243 = arith.truncf %mul3A_242 : vector<64x1xf32> to vector<64x1xbf16>
    %convert_element_type3A_244 = arith.extf %convert_element_type3A_243 : vector<64x1xbf16> to vector<64x1xf32>
    %get3A_245 = arith.constant 0 : index
    %get3A_246 = arith.constant 128 : index
    %get3A_247 = arith.constant 1 : index
    %get3A_248 = vector.load %arg3[%get3A_245, %get3A_246, %get3A_247] : memref<1x512x2xf32, #tpu.memory_space<vmem>>, vector<1x64x1xf32>
    %get3A_249 = vector.shape_cast %get3A_248 : vector<1x64x1xf32> to vector<64x1xf32>
    %mul3A_250 = arith.constant 1.400000e+01 : f32
    %mul3A_251 = vector.broadcast %mul3A_250 : f32 to vector<64x1xf32>
    %mul3A_252 = arith.mulf %get3A_249, %mul3A_251 : vector<64x1xf32>
    %convert_element_type3A_253 = arith.truncf %mul3A_252 : vector<64x1xf32> to vector<64x1xbf16>
    %convert_element_type3A_254 = arith.extf %convert_element_type3A_253 : vector<64x1xbf16> to vector<64x1xf32>
    %get3A_255 = arith.constant 0 : index
    %get3A_256 = arith.constant 128 : index
    %get3A_257 = arith.constant 0 : index
    %get3A_258 = vector.load %arg4[%get3A_255, %get3A_256, %get3A_257] : memref<1x512x2xf32, #tpu.memory_space<vmem>>, vector<1x64x1xf32>
    %get3A_259 = vector.shape_cast %get3A_258 : vector<1x64x1xf32> to vector<64x1xf32>
    %mul3A_260 = arith.constant 1.400000e+01 : f32
    %mul3A_261 = vector.broadcast %mul3A_260 : f32 to vector<64x1xf32>
    %mul3A_262 = arith.mulf %get3A_259, %mul3A_261 : vector<64x1xf32>
    %get3A_263 = arith.constant 0 : index
    %get3A_264 = arith.constant 128 : index
    %get3A_265 = arith.constant 1 : index
    %get3A_266 = vector.load %arg4[%get3A_263, %get3A_264, %get3A_265] : memref<1x512x2xf32, #tpu.memory_space<vmem>>, vector<1x64x1xf32>
    %get3A_267 = vector.shape_cast %get3A_266 : vector<1x64x1xf32> to vector<64x1xf32>
    %mul3A_268 = arith.constant 1.400000e+01 : f32
    %mul3A_269 = vector.broadcast %mul3A_268 : f32 to vector<64x1xf32>
    %mul3A_270 = arith.mulf %get3A_267, %mul3A_269 : vector<64x1xf32>
    %mul3A_271 = vector.broadcast %convert_element_type3A_59 : vector<1x512xf32> to vector<64x512xf32>
    %mul3A_272 = vector.broadcast %convert_element_type3A_244 : vector<64x1xf32> to vector<64x512xf32>
    %mul3A_273 = arith.mulf %mul3A_271, %mul3A_272 : vector<64x512xf32>
    %mul3A_274 = vector.broadcast %convert_element_type3A_61 : vector<1x512xf32> to vector<64x512xf32>
    %mul3A_275 = vector.broadcast %convert_element_type3A_254 : vector<64x1xf32> to vector<64x512xf32>
    %mul3A_276 = arith.mulf %mul3A_274, %mul3A_275 : vector<64x512xf32>
    %add3A_277 = arith.addf %mul3A_273, %mul3A_276 : vector<64x512xf32>
    %add3A_278 = vector.broadcast %sub3A : vector<1x512xf32> to vector<64x512xf32>
    %add3A_279 = arith.addf %add3A_277, %add3A_278 : vector<64x512xf32>
    %mul3A_280 = vector.broadcast %convert_element_type3A_63 : vector<1x512xf32> to vector<64x512xf32>
    %mul3A_281 = vector.broadcast %convert_element_type3A_244 : vector<64x1xf32> to vector<64x512xf32>
    %mul3A_282 = arith.mulf %mul3A_280, %mul3A_281 : vector<64x512xf32>
    %mul3A_283 = vector.broadcast %convert_element_type3A_59 : vector<1x512xf32> to vector<64x512xf32>
    %mul3A_284 = vector.broadcast %convert_element_type3A_254 : vector<64x1xf32> to vector<64x512xf32>
    %mul3A_285 = arith.mulf %mul3A_283, %mul3A_284 : vector<64x512xf32>
    %add3A_286 = arith.addf %mul3A_282, %mul3A_285 : vector<64x512xf32>
    %add3A_287 = vector.broadcast %sub3A_57 : vector<1x512xf32> to vector<64x512xf32>
    %add3A_288 = arith.addf %add3A_286, %add3A_287 : vector<64x512xf32>
    %sub3A_289 = vector.broadcast %mul3A_262 : vector<64x1xf32> to vector<64x512xf32>
    %sub3A_290 = arith.subf %sub3A_289, %add3A_279 : vector<64x512xf32>
    %sub3A_291 = vector.broadcast %mul3A_270 : vector<64x1xf32> to vector<64x512xf32>
    %sub3A_292 = arith.subf %sub3A_291, %add3A_288 : vector<64x512xf32>
    %mul3A_293 = arith.mulf %sub3A_290, %sub3A_290 : vector<64x512xf32>
    %mul3A_294 = arith.mulf %sub3A_292, %sub3A_292 : vector<64x512xf32>
    %add3A_295 = arith.addf %mul3A_293, %mul3A_294 : vector<64x512xf32>
    %swap3A_296 = arith.constant 128 : index
    %swap3A_297 = arith.constant 0 : index
    %swap3A_298 = vector.load %arg12[%swap3A_296, %swap3A_297] : memref<512x512xf32, #tpu.memory_space<vmem>>, vector<64x512xf32>
    tpu.vector_store %arg12[%swap3A_296, %swap3A_297], %add3A_295 {strides = array<i32>} : memref<512x512xf32, #tpu.memory_space<vmem>>, vector<64x512xf32>,
    %iota3A_299 = tpu.iota {dimensions = array<i32: 0>} : vector<64x1xi32>
    %add3A_300 = arith.constant 128 : i32
    %add3A_301 = vector.broadcast %add3A_300 : i32 to vector<64x1xi32>
    %add3A_302 = arith.addi %add3A_301, %iota3A_299 : vector<64x1xi32>
    %iota3A_303 = tpu.iota {dimensions = array<i32: 1>} : vector<64x512xi32>
    %le3A_304 = arith.constant 25.0000019 : f32
    %le3A_305 = vector.broadcast %le3A_304 : f32 to vector<64x512xf32>
    %le3A_306 = arith.cmpf ole, %add3A_295, %le3A_305 : vector<64x512xf32>
    %ne3A_307 = vector.broadcast %add3A_302 : vector<64x1xi32> to vector<64x512xi32>
    %ne3A_308 = arith.cmpi ne, %iota3A_303, %ne3A_307 : vector<64x512xi32>
    %and3A_309 = arith.andi %le3A_306, %ne3A_308 : vector<64x512xi1>
    %get3A_310 = arith.constant 0 : index
    %get3A_311 = arith.constant 128 : index
    %get3A_312 = arith.constant 0 : index
    %get3A_313 = vector.load %arg5[%get3A_310, %get3A_311, %get3A_312] : memref<1x512x1xf32, #tpu.memory_space<vmem>>, vector<1x64x1xf32>
    %get3A_314 = vector.shape_cast %get3A_313 : vector<1x64x1xf32> to vector<64x1xf32>
    %jit3A_315 = arith.constant 0.000000e+00 : f32
    %broadcast_in_dim3A_316 = vector.shape_cast %get3A_314 : vector<64x1xf32> to vector<64x1xf32>
    %broadcast_in_dim3A_317 = vector.broadcast %broadcast_in_dim3A_316 : vector<64x1xf32> to vector<64x512xf32>
    %broadcast_in_dim3A_318 = vector.broadcast %jit3A_315 : f32 to vector<64x512xf32>
    %select_n3A_319 = arith.select %and3A_309, %broadcast_in_dim3A_317, %broadcast_in_dim3A_318 : vector<64x512xi1>, vector<64x512xf32>
    %reduce_sum3A_320 = arith.constant dense<0.000000e+00> : vector<512xf32>
    %reduce_sum3A_321 = vector.multi_reduction <add>, %select_n3A_319, %reduce_sum3A_320 [0] : vector<64x512xf32> to vector<512xf32>
    %broadcast_in_dim3A_322 = vector.shape_cast %reduce_sum3A_321 : vector<512xf32> to vector<1x512xf32>
    %add3A_323 = arith.addf %add3A_234, %broadcast_in_dim3A_322 : vector<1x512xf32>
    %get3A_324 = arith.constant 0 : index
    %get3A_325 = arith.constant 192 : index
    %get3A_326 = arith.constant 0 : index
    %get3A_327 = vector.load %arg3[%get3A_324, %get3A_325, %get3A_326] : memref<1x512x2xf32, #tpu.memory_space<vmem>>, vector<1x64x1xf32>
    %get3A_328 = vector.shape_cast %get3A_327 : vector<1x64x1xf32> to vector<64x1xf32>
    %mul3A_329 = arith.constant 1.400000e+01 : f32
    %mul3A_330 = vector.broadcast %mul3A_329 : f32 to vector<64x1xf32>
    %mul3A_331 = arith.mulf %get3A_328, %mul3A_330 : vector<64x1xf32>
    %convert_element_type3A_332 = arith.truncf %mul3A_331 : vector<64x1xf32> to vector<64x1xbf16>
    %convert_element_type3A_333 = arith.extf %convert_element_type3A_332 : vector<64x1xbf16> to vector<64x1xf32>
    %get3A_334 = arith.constant 0 : index
    %get3A_335 = arith.constant 192 : index
    %get3A_336 = arith.constant 1 : index
    %get3A_337 = vector.load %arg3[%get3A_334, %get3A_335, %get3A_336] : memref<1x512x2xf32, #tpu.memory_space<vmem>>, vector<1x64x1xf32>
    %get3A_338 = vector.shape_cast %get3A_337 : vector<1x64x1xf32> to vector<64x1xf32>
    %mul3A_339 = arith.constant 1.400000e+01 : f32
    %mul3A_340 = vector.broadcast %mul3A_339 : f32 to vector<64x1xf32>
    %mul3A_341 = arith.mulf %get3A_338, %mul3A_340 : vector<64x1xf32>
    %convert_element_type3A_342 = arith.truncf %mul3A_341 : vector<64x1xf32> to vector<64x1xbf16>
    %convert_element_type3A_343 = arith.extf %convert_element_type3A_342 : vector<64x1xbf16> to vector<64x1xf32>
    %get3A_344 = arith.constant 0 : index
    %get3A_345 = arith.constant 192 : index
    %get3A_346 = arith.constant 0 : index
    %get3A_347 = vector.load %arg4[%get3A_344, %get3A_345, %get3A_346] : memref<1x512x2xf32, #tpu.memory_space<vmem>>, vector<1x64x1xf32>
    %get3A_348 = vector.shape_cast %get3A_347 : vector<1x64x1xf32> to vector<64x1xf32>
    %mul3A_349 = arith.constant 1.400000e+01 : f32
    %mul3A_350 = vector.broadcast %mul3A_349 : f32 to vector<64x1xf32>
    %mul3A_351 = arith.mulf %get3A_348, %mul3A_350 : vector<64x1xf32>
    %get3A_352 = arith.constant 0 : index
    %get3A_353 = arith.constant 192 : index
    %get3A_354 = arith.constant 1 : index
    %get3A_355 = vector.load %arg4[%get3A_352, %get3A_353, %get3A_354] : memref<1x512x2xf32, #tpu.memory_space<vmem>>, vector<1x64x1xf32>
    %get3A_356 = vector.shape_cast %get3A_355 : vector<1x64x1xf32> to vector<64x1xf32>
    %mul3A_357 = arith.constant 1.400000e+01 : f32
    %mul3A_358 = vector.broadcast %mul3A_357 : f32 to vector<64x1xf32>
    %mul3A_359 = arith.mulf %get3A_356, %mul3A_358 : vector<64x1xf32>
    %mul3A_360 = vector.broadcast %convert_element_type3A_59 : vector<1x512xf32> to vector<64x512xf32>
    %mul3A_361 = vector.broadcast %convert_element_type3A_333 : vector<64x1xf32> to vector<64x512xf32>
    %mul3A_362 = arith.mulf %mul3A_360, %mul3A_361 : vector<64x512xf32>
    %mul3A_363 = vector.broadcast %convert_element_type3A_61 : vector<1x512xf32> to vector<64x512xf32>
    %mul3A_364 = vector.broadcast %convert_element_type3A_343 : vector<64x1xf32> to vector<64x512xf32>
    %mul3A_365 = arith.mulf %mul3A_363, %mul3A_364 : vector<64x512xf32>
    %add3A_366 = arith.addf %mul3A_362, %mul3A_365 : vector<64x512xf32>
    %add3A_367 = vector.broadcast %sub3A : vector<1x512xf32> to vector<64x512xf32>
    %add3A_368 = arith.addf %add3A_366, %add3A_367 : vector<64x512xf32>
    %mul3A_369 = vector.broadcast %convert_element_type3A_63 : vector<1x512xf32> to vector<64x512xf32>
    %mul3A_370 = vector.broadcast %convert_element_type3A_333 : vector<64x1xf32> to vector<64x512xf32>
    %mul3A_371 = arith.mulf %mul3A_369, %mul3A_370 : vector<64x512xf32>
    %mul3A_372 = vector.broadcast %convert_element_type3A_59 : vector<1x512xf32> to vector<64x512xf32>
    %mul3A_373 = vector.broadcast %convert_element_type3A_343 : vector<64x1xf32> to vector<64x512xf32>
    %mul3A_374 = arith.mulf %mul3A_372, %mul3A_373 : vector<64x512xf32>
    %add3A_375 = arith.addf %mul3A_371, %mul3A_374 : vector<64x512xf32>
    %add3A_376 = vector.broadcast %sub3A_57 : vector<1x512xf32> to vector<64x512xf32>
    %add3A_377 = arith.addf %add3A_375, %add3A_376 : vector<64x512xf32>
    %sub3A_378 = vector.broadcast %mul3A_351 : vector<64x1xf32> to vector<64x512xf32>
    %sub3A_379 = arith.subf %sub3A_378, %add3A_368 : vector<64x512xf32>
    %sub3A_380 = vector.broadcast %mul3A_359 : vector<64x1xf32> to vector<64x512xf32>
    %sub3A_381 = arith.subf %sub3A_380, %add3A_377 : vector<64x512xf32>
    %mul3A_382 = arith.mulf %sub3A_379, %sub3A_379 : vector<64x512xf32>
    %mul3A_383 = arith.mulf %sub3A_381, %sub3A_381 : vector<64x512xf32>
    %add3A_384 = arith.addf %mul3A_382, %mul3A_383 : vector<64x512xf32>
    %swap3A_385 = arith.constant 192 : index
    %swap3A_386 = arith.constant 0 : index
    %swap3A_387 = vector.load %arg12[%swap3A_385, %swap3A_386] : memref<512x512xf32, #tpu.memory_space<vmem>>, vector<64x512xf32>
    tpu.vector_store %arg12[%swap3A_385, %swap3A_386], %add3A_384 {strides = array<i32>} : memref<512x512xf32, #tpu.memory_space<vmem>>, vector<64x512xf32>,
    %iota3A_388 = tpu.iota {dimensions = array<i32: 0>} : vector<64x1xi32>
    %add3A_389 = arith.constant 192 : i32
    %add3A_390 = vector.broadcast %add3A_389 : i32 to vector<64x1xi32>
    %add3A_391 = arith.addi %add3A_390, %iota3A_388 : vector<64x1xi32>
    %iota3A_392 = tpu.iota {dimensions = array<i32: 1>} : vector<64x512xi32>
    %le3A_393 = arith.constant 25.0000019 : f32
    %le3A_394 = vector.broadcast %le3A_393 : f32 to vector<64x512xf32>
    %le3A_395 = arith.cmpf ole, %add3A_384, %le3A_394 : vector<64x512xf32>
    %ne3A_396 = vector.broadcast %add3A_391 : vector<64x1xi32> to vector<64x512xi32>
    %ne3A_397 = arith.cmpi ne, %iota3A_392, %ne3A_396 : vector<64x512xi32>
    %and3A_398 = arith.andi %le3A_395, %ne3A_397 : vector<64x512xi1>
    %get3A_399 = arith.constant 0 : index
    %get3A_400 = arith.constant 192 : index
    %get3A_401 = arith.constant 0 : index
    %get3A_402 = vector.load %arg5[%get3A_399, %get3A_400, %get3A_401] : memref<1x512x1xf32, #tpu.memory_space<vmem>>, vector<1x64x1xf32>
    %get3A_403 = vector.shape_cast %get3A_402 : vector<1x64x1xf32> to vector<64x1xf32>
    %jit3A_404 = arith.constant 0.000000e+00 : f32
    %broadcast_in_dim3A_405 = vector.shape_cast %get3A_403 : vector<64x1xf32> to vector<64x1xf32>
    %broadcast_in_dim3A_406 = vector.broadcast %broadcast_in_dim3A_405 : vector<64x1xf32> to vector<64x512xf32>
    %broadcast_in_dim3A_407 = vector.broadcast %jit3A_404 : f32 to vector<64x512xf32>
    %select_n3A_408 = arith.select %and3A_398, %broadcast_in_dim3A_406, %broadcast_in_dim3A_407 : vector<64x512xi1>, vector<64x512xf32>
    %reduce_sum3A_409 = arith.constant dense<0.000000e+00> : vector<512xf32>
    %reduce_sum3A_410 = vector.multi_reduction <add>, %select_n3A_408, %reduce_sum3A_409 [0] : vector<64x512xf32> to vector<512xf32>
    %broadcast_in_dim3A_411 = vector.shape_cast %reduce_sum3A_410 : vector<512xf32> to vector<1x512xf32>
    %add3A_412 = arith.addf %add3A_323, %broadcast_in_dim3A_411 : vector<1x512xf32>
    %get3A_413 = arith.constant 0 : index
    %get3A_414 = arith.constant 256 : index
    %get3A_415 = arith.constant 0 : index
    %get3A_416 = vector.load %arg3[%get3A_413, %get3A_414, %get3A_415] : memref<1x512x2xf32, #tpu.memory_space<vmem>>, vector<1x64x1xf32>
    %get3A_417 = vector.shape_cast %get3A_416 : vector<1x64x1xf32> to vector<64x1xf32>
    %mul3A_418 = arith.constant 1.400000e+01 : f32
    %mul3A_419 = vector.broadcast %mul3A_418 : f32 to vector<64x1xf32>
    %mul3A_420 = arith.mulf %get3A_417, %mul3A_419 : vector<64x1xf32>
    %convert_element_type3A_421 = arith.truncf %mul3A_420 : vector<64x1xf32> to vector<64x1xbf16>
    %convert_element_type3A_422 = arith.extf %convert_element_type3A_421 : vector<64x1xbf16> to vector<64x1xf32>
    %get3A_423 = arith.constant 0 : index
    %get3A_424 = arith.constant 256 : index
    %get3A_425 = arith.constant 1 : index
    %get3A_426 = vector.load %arg3[%get3A_423, %get3A_424, %get3A_425] : memref<1x512x2xf32, #tpu.memory_space<vmem>>, vector<1x64x1xf32>
    %get3A_427 = vector.shape_cast %get3A_426 : vector<1x64x1xf32> to vector<64x1xf32>
    %mul3A_428 = arith.constant 1.400000e+01 : f32
    %mul3A_429 = vector.broadcast %mul3A_428 : f32 to vector<64x1xf32>
    %mul3A_430 = arith.mulf %get3A_427, %mul3A_429 : vector<64x1xf32>
    %convert_element_type3A_431 = arith.truncf %mul3A_430 : vector<64x1xf32> to vector<64x1xbf16>
    %convert_element_type3A_432 = arith.extf %convert_element_type3A_431 : vector<64x1xbf16> to vector<64x1xf32>
    %get3A_433 = arith.constant 0 : index
    %get3A_434 = arith.constant 256 : index
    %get3A_435 = arith.constant 0 : index
    %get3A_436 = vector.load %arg4[%get3A_433, %get3A_434, %get3A_435] : memref<1x512x2xf32, #tpu.memory_space<vmem>>, vector<1x64x1xf32>
    %get3A_437 = vector.shape_cast %get3A_436 : vector<1x64x1xf32> to vector<64x1xf32>
    %mul3A_438 = arith.constant 1.400000e+01 : f32
    %mul3A_439 = vector.broadcast %mul3A_438 : f32 to vector<64x1xf32>
    %mul3A_440 = arith.mulf %get3A_437, %mul3A_439 : vector<64x1xf32>
    %get3A_441 = arith.constant 0 : index
    %get3A_442 = arith.constant 256 : index
    %get3A_443 = arith.constant 1 : index
    %get3A_444 = vector.load %arg4[%get3A_441, %get3A_442, %get3A_443] : memref<1x512x2xf32, #tpu.memory_space<vmem>>, vector<1x64x1xf32>
    %get3A_445 = vector.shape_cast %get3A_444 : vector<1x64x1xf32> to vector<64x1xf32>
    %mul3A_446 = arith.constant 1.400000e+01 : f32
    %mul3A_447 = vector.broadcast %mul3A_446 : f32 to vector<64x1xf32>
    %mul3A_448 = arith.mulf %get3A_445, %mul3A_447 : vector<64x1xf32>
    %mul3A_449 = vector.broadcast %convert_element_type3A_59 : vector<1x512xf32> to vector<64x512xf32>
    %mul3A_450 = vector.broadcast %convert_element_type3A_422 : vector<64x1xf32> to vector<64x512xf32>
    %mul3A_451 = arith.mulf %mul3A_449, %mul3A_450 : vector<64x512xf32>
    %mul3A_452 = vector.broadcast %convert_element_type3A_61 : vector<1x512xf32> to vector<64x512xf32>
    %mul3A_453 = vector.broadcast %convert_element_type3A_432 : vector<64x1xf32> to vector<64x512xf32>
    %mul3A_454 = arith.mulf %mul3A_452, %mul3A_453 : vector<64x512xf32>
    %add3A_455 = arith.addf %mul3A_451, %mul3A_454 : vector<64x512xf32>
    %add3A_456 = vector.broadcast %sub3A : vector<1x512xf32> to vector<64x512xf32>
    %add3A_457 = arith.addf %add3A_455, %add3A_456 : vector<64x512xf32>
    %mul3A_458 = vector.broadcast %convert_element_type3A_63 : vector<1x512xf32> to vector<64x512xf32>
    %mul3A_459 = vector.broadcast %convert_element_type3A_422 : vector<64x1xf32> to vector<64x512xf32>
    %mul3A_460 = arith.mulf %mul3A_458, %mul3A_459 : vector<64x512xf32>
    %mul3A_461 = vector.broadcast %convert_element_type3A_59 : vector<1x512xf32> to vector<64x512xf32>
    %mul3A_462 = vector.broadcast %convert_element_type3A_432 : vector<64x1xf32> to vector<64x512xf32>
    %mul3A_463 = arith.mulf %mul3A_461, %mul3A_462 : vector<64x512xf32>
    %add3A_464 = arith.addf %mul3A_460, %mul3A_463 : vector<64x512xf32>
    %add3A_465 = vector.broadcast %sub3A_57 : vector<1x512xf32> to vector<64x512xf32>
    %add3A_466 = arith.addf %add3A_464, %add3A_465 : vector<64x512xf32>
    %sub3A_467 = vector.broadcast %mul3A_440 : vector<64x1xf32> to vector<64x512xf32>
    %sub3A_468 = arith.subf %sub3A_467, %add3A_457 : vector<64x512xf32>
    %sub3A_469 = vector.broadcast %mul3A_448 : vector<64x1xf32> to vector<64x512xf32>
    %sub3A_470 = arith.subf %sub3A_469, %add3A_466 : vector<64x512xf32>
    %mul3A_471 = arith.mulf %sub3A_468, %sub3A_468 : vector<64x512xf32>
    %mul3A_472 = arith.mulf %sub3A_470, %sub3A_470 : vector<64x512xf32>
    %add3A_473 = arith.addf %mul3A_471, %mul3A_472 : vector<64x512xf32>
    %swap3A_474 = arith.constant 256 : index
    %swap3A_475 = arith.constant 0 : index
    %swap3A_476 = vector.load %arg12[%swap3A_474, %swap3A_475] : memref<512x512xf32, #tpu.memory_space<vmem>>, vector<64x512xf32>
    tpu.vector_store %arg12[%swap3A_474, %swap3A_475], %add3A_473 {strides = array<i32>} : memref<512x512xf32, #tpu.memory_space<vmem>>, vector<64x512xf32>,
    %iota3A_477 = tpu.iota {dimensions = array<i32: 0>} : vector<64x1xi32>
    %add3A_478 = arith.constant 256 : i32
    %add3A_479 = vector.broadcast %add3A_478 : i32 to vector<64x1xi32>
    %add3A_480 = arith.addi %add3A_479, %iota3A_477 : vector<64x1xi32>
    %iota3A_481 = tpu.iota {dimensions = array<i32: 1>} : vector<64x512xi32>
    %le3A_482 = arith.constant 25.0000019 : f32
    %le3A_483 = vector.broadcast %le3A_482 : f32 to vector<64x512xf32>
    %le3A_484 = arith.cmpf ole, %add3A_473, %le3A_483 : vector<64x512xf32>
    %ne3A_485 = vector.broadcast %add3A_480 : vector<64x1xi32> to vector<64x512xi32>
    %ne3A_486 = arith.cmpi ne, %iota3A_481, %ne3A_485 : vector<64x512xi32>
    %and3A_487 = arith.andi %le3A_484, %ne3A_486 : vector<64x512xi1>
    %get3A_488 = arith.constant 0 : index
    %get3A_489 = arith.constant 256 : index
    %get3A_490 = arith.constant 0 : index
    %get3A_491 = vector.load %arg5[%get3A_488, %get3A_489, %get3A_490] : memref<1x512x1xf32, #tpu.memory_space<vmem>>, vector<1x64x1xf32>
    %get3A_492 = vector.shape_cast %get3A_491 : vector<1x64x1xf32> to vector<64x1xf32>
    %jit3A_493 = arith.constant 0.000000e+00 : f32
    %broadcast_in_dim3A_494 = vector.shape_cast %get3A_492 : vector<64x1xf32> to vector<64x1xf32>
    %broadcast_in_dim3A_495 = vector.broadcast %broadcast_in_dim3A_494 : vector<64x1xf32> to vector<64x512xf32>
    %broadcast_in_dim3A_496 = vector.broadcast %jit3A_493 : f32 to vector<64x512xf32>
    %select_n3A_497 = arith.select %and3A_487, %broadcast_in_dim3A_495, %broadcast_in_dim3A_496 : vector<64x512xi1>, vector<64x512xf32>
    %reduce_sum3A_498 = arith.constant dense<0.000000e+00> : vector<512xf32>
    %reduce_sum3A_499 = vector.multi_reduction <add>, %select_n3A_497, %reduce_sum3A_498 [0] : vector<64x512xf32> to vector<512xf32>
    %broadcast_in_dim3A_500 = vector.shape_cast %reduce_sum3A_499 : vector<512xf32> to vector<1x512xf32>
    %add3A_501 = arith.addf %add3A_412, %broadcast_in_dim3A_500 : vector<1x512xf32>
    %get3A_502 = arith.constant 0 : index
    %get3A_503 = arith.constant 320 : index
    %get3A_504 = arith.constant 0 : index
    %get3A_505 = vector.load %arg3[%get3A_502, %get3A_503, %get3A_504] : memref<1x512x2xf32, #tpu.memory_space<vmem>>, vector<1x64x1xf32>
    %get3A_506 = vector.shape_cast %get3A_505 : vector<1x64x1xf32> to vector<64x1xf32>
    %mul3A_507 = arith.constant 1.400000e+01 : f32
    %mul3A_508 = vector.broadcast %mul3A_507 : f32 to vector<64x1xf32>
    %mul3A_509 = arith.mulf %get3A_506, %mul3A_508 : vector<64x1xf32>
    %convert_element_type3A_510 = arith.truncf %mul3A_509 : vector<64x1xf32> to vector<64x1xbf16>
    %convert_element_type3A_511 = arith.extf %convert_element_type3A_510 : vector<64x1xbf16> to vector<64x1xf32>
    %get3A_512 = arith.constant 0 : index
    %get3A_513 = arith.constant 320 : index
    %get3A_514 = arith.constant 1 : index
    %get3A_515 = vector.load %arg3[%get3A_512, %get3A_513, %get3A_514] : memref<1x512x2xf32, #tpu.memory_space<vmem>>, vector<1x64x1xf32>
    %get3A_516 = vector.shape_cast %get3A_515 : vector<1x64x1xf32> to vector<64x1xf32>
    %mul3A_517 = arith.constant 1.400000e+01 : f32
    %mul3A_518 = vector.broadcast %mul3A_517 : f32 to vector<64x1xf32>
    %mul3A_519 = arith.mulf %get3A_516, %mul3A_518 : vector<64x1xf32>
    %convert_element_type3A_520 = arith.truncf %mul3A_519 : vector<64x1xf32> to vector<64x1xbf16>
    %convert_element_type3A_521 = arith.extf %convert_element_type3A_520 : vector<64x1xbf16> to vector<64x1xf32>
    %get3A_522 = arith.constant 0 : index
    %get3A_523 = arith.constant 320 : index
    %get3A_524 = arith.constant 0 : index
    %get3A_525 = vector.load %arg4[%get3A_522, %get3A_523, %get3A_524] : memref<1x512x2xf32, #tpu.memory_space<vmem>>, vector<1x64x1xf32>
    %get3A_526 = vector.shape_cast %get3A_525 : vector<1x64x1xf32> to vector<64x1xf32>
    %mul3A_527 = arith.constant 1.400000e+01 : f32
    %mul3A_528 = vector.broadcast %mul3A_527 : f32 to vector<64x1xf32>
    %mul3A_529 = arith.mulf %get3A_526, %mul3A_528 : vector<64x1xf32>
    %get3A_530 = arith.constant 0 : index
    %get3A_531 = arith.constant 320 : index
    %get3A_532 = arith.constant 1 : index
    %get3A_533 = vector.load %arg4[%get3A_530, %get3A_531, %get3A_532] : memref<1x512x2xf32, #tpu.memory_space<vmem>>, vector<1x64x1xf32>
    %get3A_534 = vector.shape_cast %get3A_533 : vector<1x64x1xf32> to vector<64x1xf32>
    %mul3A_535 = arith.constant 1.400000e+01 : f32
    %mul3A_536 = vector.broadcast %mul3A_535 : f32 to vector<64x1xf32>
    %mul3A_537 = arith.mulf %get3A_534, %mul3A_536 : vector<64x1xf32>
    %mul3A_538 = vector.broadcast %convert_element_type3A_59 : vector<1x512xf32> to vector<64x512xf32>
    %mul3A_539 = vector.broadcast %convert_element_type3A_511 : vector<64x1xf32> to vector<64x512xf32>
    %mul3A_540 = arith.mulf %mul3A_538, %mul3A_539 : vector<64x512xf32>
    %mul3A_541 = vector.broadcast %convert_element_type3A_61 : vector<1x512xf32> to vector<64x512xf32>
    %mul3A_542 = vector.broadcast %convert_element_type3A_521 : vector<64x1xf32> to vector<64x512xf32>
    %mul3A_543 = arith.mulf %mul3A_541, %mul3A_542 : vector<64x512xf32>
    %add3A_544 = arith.addf %mul3A_540, %mul3A_543 : vector<64x512xf32>
    %add3A_545 = vector.broadcast %sub3A : vector<1x512xf32> to vector<64x512xf32>
    %add3A_546 = arith.addf %add3A_544, %add3A_545 : vector<64x512xf32>
    %mul3A_547 = vector.broadcast %convert_element_type3A_63 : vector<1x512xf32> to vector<64x512xf32>
    %mul3A_548 = vector.broadcast %convert_element_type3A_511 : vector<64x1xf32> to vector<64x512xf32>
    %mul3A_549 = arith.mulf %mul3A_547, %mul3A_548 : vector<64x512xf32>
    %mul3A_550 = vector.broadcast %convert_element_type3A_59 : vector<1x512xf32> to vector<64x512xf32>
    %mul3A_551 = vector.broadcast %convert_element_type3A_521 : vector<64x1xf32> to vector<64x512xf32>
    %mul3A_552 = arith.mulf %mul3A_550, %mul3A_551 : vector<64x512xf32>
    %add3A_553 = arith.addf %mul3A_549, %mul3A_552 : vector<64x512xf32>
    %add3A_554 = vector.broadcast %sub3A_57 : vector<1x512xf32> to vector<64x512xf32>
    %add3A_555 = arith.addf %add3A_553, %add3A_554 : vector<64x512xf32>
    %sub3A_556 = vector.broadcast %mul3A_529 : vector<64x1xf32> to vector<64x512xf32>
    %sub3A_557 = arith.subf %sub3A_556, %add3A_546 : vector<64x512xf32>
    %sub3A_558 = vector.broadcast %mul3A_537 : vector<64x1xf32> to vector<64x512xf32>
    %sub3A_559 = arith.subf %sub3A_558, %add3A_555 : vector<64x512xf32>
    %mul3A_560 = arith.mulf %sub3A_557, %sub3A_557 : vector<64x512xf32>
    %mul3A_561 = arith.mulf %sub3A_559, %sub3A_559 : vector<64x512xf32>
    %add3A_562 = arith.addf %mul3A_560, %mul3A_561 : vector<64x512xf32>
    %swap3A_563 = arith.constant 320 : index
    %swap3A_564 = arith.constant 0 : index
    %swap3A_565 = vector.load %arg12[%swap3A_563, %swap3A_564] : memref<512x512xf32, #tpu.memory_space<vmem>>, vector<64x512xf32>
    tpu.vector_store %arg12[%swap3A_563, %swap3A_564], %add3A_562 {strides = array<i32>} : memref<512x512xf32, #tpu.memory_space<vmem>>, vector<64x512xf32>,
    %iota3A_566 = tpu.iota {dimensions = array<i32: 0>} : vector<64x1xi32>
    %add3A_567 = arith.constant 320 : i32
    %add3A_568 = vector.broadcast %add3A_567 : i32 to vector<64x1xi32>
    %add3A_569 = arith.addi %add3A_568, %iota3A_566 : vector<64x1xi32>
    %iota3A_570 = tpu.iota {dimensions = array<i32: 1>} : vector<64x512xi32>
    %le3A_571 = arith.constant 25.0000019 : f32
    %le3A_572 = vector.broadcast %le3A_571 : f32 to vector<64x512xf32>
    %le3A_573 = arith.cmpf ole, %add3A_562, %le3A_572 : vector<64x512xf32>
    %ne3A_574 = vector.broadcast %add3A_569 : vector<64x1xi32> to vector<64x512xi32>
    %ne3A_575 = arith.cmpi ne, %iota3A_570, %ne3A_574 : vector<64x512xi32>
    %and3A_576 = arith.andi %le3A_573, %ne3A_575 : vector<64x512xi1>
    %get3A_577 = arith.constant 0 : index
    %get3A_578 = arith.constant 320 : index
    %get3A_579 = arith.constant 0 : index
    %get3A_580 = vector.load %arg5[%get3A_577, %get3A_578, %get3A_579] : memref<1x512x1xf32, #tpu.memory_space<vmem>>, vector<1x64x1xf32>
    %get3A_581 = vector.shape_cast %get3A_580 : vector<1x64x1xf32> to vector<64x1xf32>
    %jit3A_582 = arith.constant 0.000000e+00 : f32
    %broadcast_in_dim3A_583 = vector.shape_cast %get3A_581 : vector<64x1xf32> to vector<64x1xf32>
    %broadcast_in_dim3A_584 = vector.broadcast %broadcast_in_dim3A_583 : vector<64x1xf32> to vector<64x512xf32>
    %broadcast_in_dim3A_585 = vector.broadcast %jit3A_582 : f32 to vector<64x512xf32>
    %select_n3A_586 = arith.select %and3A_576, %broadcast_in_dim3A_584, %broadcast_in_dim3A_585 : vector<64x512xi1>, vector<64x512xf32>
    %reduce_sum3A_587 = arith.constant dense<0.000000e+00> : vector<512xf32>
    %reduce_sum3A_588 = vector.multi_reduction <add>, %select_n3A_586, %reduce_sum3A_587 [0] : vector<64x512xf32> to vector<512xf32>
    %broadcast_in_dim3A_589 = vector.shape_cast %reduce_sum3A_588 : vector<512xf32> to vector<1x512xf32>
    %add3A_590 = arith.addf %add3A_501, %broadcast_in_dim3A_589 : vector<1x512xf32>
    %get3A_591 = arith.constant 0 : index
    %get3A_592 = arith.constant 384 : index
    %get3A_593 = arith.constant 0 : index
    %get3A_594 = vector.load %arg3[%get3A_591, %get3A_592, %get3A_593] : memref<1x512x2xf32, #tpu.memory_space<vmem>>, vector<1x64x1xf32>
    %get3A_595 = vector.shape_cast %get3A_594 : vector<1x64x1xf32> to vector<64x1xf32>
    %mul3A_596 = arith.constant 1.400000e+01 : f32
    %mul3A_597 = vector.broadcast %mul3A_596 : f32 to vector<64x1xf32>
    %mul3A_598 = arith.mulf %get3A_595, %mul3A_597 : vector<64x1xf32>
    %convert_element_type3A_599 = arith.truncf %mul3A_598 : vector<64x1xf32> to vector<64x1xbf16>
    %convert_element_type3A_600 = arith.extf %convert_element_type3A_599 : vector<64x1xbf16> to vector<64x1xf32>
    %get3A_601 = arith.constant 0 : index
    %get3A_602 = arith.constant 384 : index
    %get3A_603 = arith.constant 1 : index
    %get3A_604 = vector.load %arg3[%get3A_601, %get3A_602, %get3A_603] : memref<1x512x2xf32, #tpu.memory_space<vmem>>, vector<1x64x1xf32>
    %get3A_605 = vector.shape_cast %get3A_604 : vector<1x64x1xf32> to vector<64x1xf32>
    %mul3A_606 = arith.constant 1.400000e+01 : f32
    %mul3A_607 = vector.broadcast %mul3A_606 : f32 to vector<64x1xf32>
    %mul3A_608 = arith.mulf %get3A_605, %mul3A_607 : vector<64x1xf32>
    %convert_element_type3A_609 = arith.truncf %mul3A_608 : vector<64x1xf32> to vector<64x1xbf16>
    %convert_element_type3A_610 = arith.extf %convert_element_type3A_609 : vector<64x1xbf16> to vector<64x1xf32>
    %get3A_611 = arith.constant 0 : index
    %get3A_612 = arith.constant 384 : index
    %get3A_613 = arith.constant 0 : index
    %get3A_614 = vector.load %arg4[%get3A_611, %get3A_612, %get3A_613] : memref<1x512x2xf32, #tpu.memory_space<vmem>>, vector<1x64x1xf32>
    %get3A_615 = vector.shape_cast %get3A_614 : vector<1x64x1xf32> to vector<64x1xf32>
    %mul3A_616 = arith.constant 1.400000e+01 : f32
    %mul3A_617 = vector.broadcast %mul3A_616 : f32 to vector<64x1xf32>
    %mul3A_618 = arith.mulf %get3A_615, %mul3A_617 : vector<64x1xf32>
    %get3A_619 = arith.constant 0 : index
    %get3A_620 = arith.constant 384 : index
    %get3A_621 = arith.constant 1 : index
    %get3A_622 = vector.load %arg4[%get3A_619, %get3A_620, %get3A_621] : memref<1x512x2xf32, #tpu.memory_space<vmem>>, vector<1x64x1xf32>
    %get3A_623 = vector.shape_cast %get3A_622 : vector<1x64x1xf32> to vector<64x1xf32>
    %mul3A_624 = arith.constant 1.400000e+01 : f32
    %mul3A_625 = vector.broadcast %mul3A_624 : f32 to vector<64x1xf32>
    %mul3A_626 = arith.mulf %get3A_623, %mul3A_625 : vector<64x1xf32>
    %mul3A_627 = vector.broadcast %convert_element_type3A_59 : vector<1x512xf32> to vector<64x512xf32>
    %mul3A_628 = vector.broadcast %convert_element_type3A_600 : vector<64x1xf32> to vector<64x512xf32>
    %mul3A_629 = arith.mulf %mul3A_627, %mul3A_628 : vector<64x512xf32>
    %mul3A_630 = vector.broadcast %convert_element_type3A_61 : vector<1x512xf32> to vector<64x512xf32>
    %mul3A_631 = vector.broadcast %convert_element_type3A_610 : vector<64x1xf32> to vector<64x512xf32>
    %mul3A_632 = arith.mulf %mul3A_630, %mul3A_631 : vector<64x512xf32>
    %add3A_633 = arith.addf %mul3A_629, %mul3A_632 : vector<64x512xf32>
    %add3A_634 = vector.broadcast %sub3A : vector<1x512xf32> to vector<64x512xf32>
    %add3A_635 = arith.addf %add3A_633, %add3A_634 : vector<64x512xf32>
    %mul3A_636 = vector.broadcast %convert_element_type3A_63 : vector<1x512xf32> to vector<64x512xf32>
    %mul3A_637 = vector.broadcast %convert_element_type3A_600 : vector<64x1xf32> to vector<64x512xf32>
    %mul3A_638 = arith.mulf %mul3A_636, %mul3A_637 : vector<64x512xf32>
    %mul3A_639 = vector.broadcast %convert_element_type3A_59 : vector<1x512xf32> to vector<64x512xf32>
    %mul3A_640 = vector.broadcast %convert_element_type3A_610 : vector<64x1xf32> to vector<64x512xf32>
    %mul3A_641 = arith.mulf %mul3A_639, %mul3A_640 : vector<64x512xf32>
    %add3A_642 = arith.addf %mul3A_638, %mul3A_641 : vector<64x512xf32>
    %add3A_643 = vector.broadcast %sub3A_57 : vector<1x512xf32> to vector<64x512xf32>
    %add3A_644 = arith.addf %add3A_642, %add3A_643 : vector<64x512xf32>
    %sub3A_645 = vector.broadcast %mul3A_618 : vector<64x1xf32> to vector<64x512xf32>
    %sub3A_646 = arith.subf %sub3A_645, %add3A_635 : vector<64x512xf32>
    %sub3A_647 = vector.broadcast %mul3A_626 : vector<64x1xf32> to vector<64x512xf32>
    %sub3A_648 = arith.subf %sub3A_647, %add3A_644 : vector<64x512xf32>
    %mul3A_649 = arith.mulf %sub3A_646, %sub3A_646 : vector<64x512xf32>
    %mul3A_650 = arith.mulf %sub3A_648, %sub3A_648 : vector<64x512xf32>
    %add3A_651 = arith.addf %mul3A_649, %mul3A_650 : vector<64x512xf32>
    %swap3A_652 = arith.constant 384 : index
    %swap3A_653 = arith.constant 0 : index
    %swap3A_654 = vector.load %arg12[%swap3A_652, %swap3A_653] : memref<512x512xf32, #tpu.memory_space<vmem>>, vector<64x512xf32>
    tpu.vector_store %arg12[%swap3A_652, %swap3A_653], %add3A_651 {strides = array<i32>} : memref<512x512xf32, #tpu.memory_space<vmem>>, vector<64x512xf32>,
    %iota3A_655 = tpu.iota {dimensions = array<i32: 0>} : vector<64x1xi32>
    %add3A_656 = arith.constant 384 : i32
    %add3A_657 = vector.broadcast %add3A_656 : i32 to vector<64x1xi32>
    %add3A_658 = arith.addi %add3A_657, %iota3A_655 : vector<64x1xi32>
    %iota3A_659 = tpu.iota {dimensions = array<i32: 1>} : vector<64x512xi32>
    %le3A_660 = arith.constant 25.0000019 : f32
    %le3A_661 = vector.broadcast %le3A_660 : f32 to vector<64x512xf32>
    %le3A_662 = arith.cmpf ole, %add3A_651, %le3A_661 : vector<64x512xf32>
    %ne3A_663 = vector.broadcast %add3A_658 : vector<64x1xi32> to vector<64x512xi32>
    %ne3A_664 = arith.cmpi ne, %iota3A_659, %ne3A_663 : vector<64x512xi32>
    %and3A_665 = arith.andi %le3A_662, %ne3A_664 : vector<64x512xi1>
    %get3A_666 = arith.constant 0 : index
    %get3A_667 = arith.constant 384 : index
    %get3A_668 = arith.constant 0 : index
    %get3A_669 = vector.load %arg5[%get3A_666, %get3A_667, %get3A_668] : memref<1x512x1xf32, #tpu.memory_space<vmem>>, vector<1x64x1xf32>
    %get3A_670 = vector.shape_cast %get3A_669 : vector<1x64x1xf32> to vector<64x1xf32>
    %jit3A_671 = arith.constant 0.000000e+00 : f32
    %broadcast_in_dim3A_672 = vector.shape_cast %get3A_670 : vector<64x1xf32> to vector<64x1xf32>
    %broadcast_in_dim3A_673 = vector.broadcast %broadcast_in_dim3A_672 : vector<64x1xf32> to vector<64x512xf32>
    %broadcast_in_dim3A_674 = vector.broadcast %jit3A_671 : f32 to vector<64x512xf32>
    %select_n3A_675 = arith.select %and3A_665, %broadcast_in_dim3A_673, %broadcast_in_dim3A_674 : vector<64x512xi1>, vector<64x512xf32>
    %reduce_sum3A_676 = arith.constant dense<0.000000e+00> : vector<512xf32>
    %reduce_sum3A_677 = vector.multi_reduction <add>, %select_n3A_675, %reduce_sum3A_676 [0] : vector<64x512xf32> to vector<512xf32>
    %broadcast_in_dim3A_678 = vector.shape_cast %reduce_sum3A_677 : vector<512xf32> to vector<1x512xf32>
    %add3A_679 = arith.addf %add3A_590, %broadcast_in_dim3A_678 : vector<1x512xf32>
    %get3A_680 = arith.constant 0 : index
    %get3A_681 = arith.constant 448 : index
    %get3A_682 = arith.constant 0 : index
    %get3A_683 = vector.load %arg3[%get3A_680, %get3A_681, %get3A_682] : memref<1x512x2xf32, #tpu.memory_space<vmem>>, vector<1x64x1xf32>
    %get3A_684 = vector.shape_cast %get3A_683 : vector<1x64x1xf32> to vector<64x1xf32>
    %mul3A_685 = arith.constant 1.400000e+01 : f32
    %mul3A_686 = vector.broadcast %mul3A_685 : f32 to vector<64x1xf32>
    %mul3A_687 = arith.mulf %get3A_684, %mul3A_686 : vector<64x1xf32>
    %convert_element_type3A_688 = arith.truncf %mul3A_687 : vector<64x1xf32> to vector<64x1xbf16>
    %convert_element_type3A_689 = arith.extf %convert_element_type3A_688 : vector<64x1xbf16> to vector<64x1xf32>
    %get3A_690 = arith.constant 0 : index
    %get3A_691 = arith.constant 448 : index
    %get3A_692 = arith.constant 1 : index
    %get3A_693 = vector.load %arg3[%get3A_690, %get3A_691, %get3A_692] : memref<1x512x2xf32, #tpu.memory_space<vmem>>, vector<1x64x1xf32>
    %get3A_694 = vector.shape_cast %get3A_693 : vector<1x64x1xf32> to vector<64x1xf32>
    %mul3A_695 = arith.constant 1.400000e+01 : f32
    %mul3A_696 = vector.broadcast %mul3A_695 : f32 to vector<64x1xf32>
    %mul3A_697 = arith.mulf %get3A_694, %mul3A_696 : vector<64x1xf32>
    %convert_element_type3A_698 = arith.truncf %mul3A_697 : vector<64x1xf32> to vector<64x1xbf16>
    %convert_element_type3A_699 = arith.extf %convert_element_type3A_698 : vector<64x1xbf16> to vector<64x1xf32>
    %get3A_700 = arith.constant 0 : index
    %get3A_701 = arith.constant 448 : index
    %get3A_702 = arith.constant 0 : index
    %get3A_703 = vector.load %arg4[%get3A_700, %get3A_701, %get3A_702] : memref<1x512x2xf32, #tpu.memory_space<vmem>>, vector<1x64x1xf32>
    %get3A_704 = vector.shape_cast %get3A_703 : vector<1x64x1xf32> to vector<64x1xf32>
    %mul3A_705 = arith.constant 1.400000e+01 : f32
    %mul3A_706 = vector.broadcast %mul3A_705 : f32 to vector<64x1xf32>
    %mul3A_707 = arith.mulf %get3A_704, %mul3A_706 : vector<64x1xf32>
    %get3A_708 = arith.constant 0 : index
    %get3A_709 = arith.constant 448 : index
    %get3A_710 = arith.constant 1 : index
    %get3A_711 = vector.load %arg4[%get3A_708, %get3A_709, %get3A_710] : memref<1x512x2xf32, #tpu.memory_space<vmem>>, vector<1x64x1xf32>
    %get3A_712 = vector.shape_cast %get3A_711 : vector<1x64x1xf32> to vector<64x1xf32>
    %mul3A_713 = arith.constant 1.400000e+01 : f32
    %mul3A_714 = vector.broadcast %mul3A_713 : f32 to vector<64x1xf32>
    %mul3A_715 = arith.mulf %get3A_712, %mul3A_714 : vector<64x1xf32>
    %mul3A_716 = vector.broadcast %convert_element_type3A_59 : vector<1x512xf32> to vector<64x512xf32>
    %mul3A_717 = vector.broadcast %convert_element_type3A_689 : vector<64x1xf32> to vector<64x512xf32>
    %mul3A_718 = arith.mulf %mul3A_716, %mul3A_717 : vector<64x512xf32>
    %mul3A_719 = vector.broadcast %convert_element_type3A_61 : vector<1x512xf32> to vector<64x512xf32>
    %mul3A_720 = vector.broadcast %convert_element_type3A_699 : vector<64x1xf32> to vector<64x512xf32>
    %mul3A_721 = arith.mulf %mul3A_719, %mul3A_720 : vector<64x512xf32>
    %add3A_722 = arith.addf %mul3A_718, %mul3A_721 : vector<64x512xf32>
    %add3A_723 = vector.broadcast %sub3A : vector<1x512xf32> to vector<64x512xf32>
    %add3A_724 = arith.addf %add3A_722, %add3A_723 : vector<64x512xf32>
    %mul3A_725 = vector.broadcast %convert_element_type3A_63 : vector<1x512xf32> to vector<64x512xf32>
    %mul3A_726 = vector.broadcast %convert_element_type3A_689 : vector<64x1xf32> to vector<64x512xf32>
    %mul3A_727 = arith.mulf %mul3A_725, %mul3A_726 : vector<64x512xf32>
    %mul3A_728 = vector.broadcast %convert_element_type3A_59 : vector<1x512xf32> to vector<64x512xf32>
    %mul3A_729 = vector.broadcast %convert_element_type3A_699 : vector<64x1xf32> to vector<64x512xf32>
    %mul3A_730 = arith.mulf %mul3A_728, %mul3A_729 : vector<64x512xf32>
    %add3A_731 = arith.addf %mul3A_727, %mul3A_730 : vector<64x512xf32>
    %add3A_732 = vector.broadcast %sub3A_57 : vector<1x512xf32> to vector<64x512xf32>
    %add3A_733 = arith.addf %add3A_731, %add3A_732 : vector<64x512xf32>
    %sub3A_734 = vector.broadcast %mul3A_707 : vector<64x1xf32> to vector<64x512xf32>
    %sub3A_735 = arith.subf %sub3A_734, %add3A_724 : vector<64x512xf32>
    %sub3A_736 = vector.broadcast %mul3A_715 : vector<64x1xf32> to vector<64x512xf32>
    %sub3A_737 = arith.subf %sub3A_736, %add3A_733 : vector<64x512xf32>
    %mul3A_738 = arith.mulf %sub3A_735, %sub3A_735 : vector<64x512xf32>
    %mul3A_739 = arith.mulf %sub3A_737, %sub3A_737 : vector<64x512xf32>
    %add3A_740 = arith.addf %mul3A_738, %mul3A_739 : vector<64x512xf32>
    %swap3A_741 = arith.constant 448 : index
    %swap3A_742 = arith.constant 0 : index
    %swap3A_743 = vector.load %arg12[%swap3A_741, %swap3A_742] : memref<512x512xf32, #tpu.memory_space<vmem>>, vector<64x512xf32>
    tpu.vector_store %arg12[%swap3A_741, %swap3A_742], %add3A_740 {strides = array<i32>} : memref<512x512xf32, #tpu.memory_space<vmem>>, vector<64x512xf32>,
    %iota3A_744 = tpu.iota {dimensions = array<i32: 0>} : vector<64x1xi32>
    %add3A_745 = arith.constant 448 : i32
    %add3A_746 = vector.broadcast %add3A_745 : i32 to vector<64x1xi32>
    %add3A_747 = arith.addi %add3A_746, %iota3A_744 : vector<64x1xi32>
    %iota3A_748 = tpu.iota {dimensions = array<i32: 1>} : vector<64x512xi32>
    %le3A_749 = arith.constant 25.0000019 : f32
    %le3A_750 = vector.broadcast %le3A_749 : f32 to vector<64x512xf32>
    %le3A_751 = arith.cmpf ole, %add3A_740, %le3A_750 : vector<64x512xf32>
    %ne3A_752 = vector.broadcast %add3A_747 : vector<64x1xi32> to vector<64x512xi32>
    %ne3A_753 = arith.cmpi ne, %iota3A_748, %ne3A_752 : vector<64x512xi32>
    %and3A_754 = arith.andi %le3A_751, %ne3A_753 : vector<64x512xi1>
    %get3A_755 = arith.constant 0 : index
    %get3A_756 = arith.constant 448 : index
    %get3A_757 = arith.constant 0 : index
    %get3A_758 = vector.load %arg5[%get3A_755, %get3A_756, %get3A_757] : memref<1x512x1xf32, #tpu.memory_space<vmem>>, vector<1x64x1xf32>
    %get3A_759 = vector.shape_cast %get3A_758 : vector<1x64x1xf32> to vector<64x1xf32>
    %jit3A_760 = arith.constant 0.000000e+00 : f32
    %broadcast_in_dim3A_761 = vector.shape_cast %get3A_759 : vector<64x1xf32> to vector<64x1xf32>
    %broadcast_in_dim3A_762 = vector.broadcast %broadcast_in_dim3A_761 : vector<64x1xf32> to vector<64x512xf32>
    %broadcast_in_dim3A_763 = vector.broadcast %jit3A_760 : f32 to vector<64x512xf32>
    %select_n3A_764 = arith.select %and3A_754, %broadcast_in_dim3A_762, %broadcast_in_dim3A_763 : vector<64x512xi1>, vector<64x512xf32>
    %reduce_sum3A_765 = arith.constant dense<0.000000e+00> : vector<512xf32>
    %reduce_sum3A_766 = vector.multi_reduction <add>, %select_n3A_764, %reduce_sum3A_765 [0] : vector<64x512xf32> to vector<512xf32>
    %broadcast_in_dim3A_767 = vector.shape_cast %reduce_sum3A_766 : vector<512xf32> to vector<1x512xf32>
    %add3A_768 = arith.addf %add3A_679, %broadcast_in_dim3A_767 : vector<1x512xf32>
    %reduce_max3A = vector.shape_cast %add3A_768 : vector<1x512xf32> to vector<1x1x512xf32>
    %reduce_max3A_769 = arith.constant dense<0xFF800000> : vector<1xf32>
    %reduce_max3A_770 = vector.multi_reduction <maximumf>, %reduce_max3A, %reduce_max3A_769 [1, 2] : vector<1x1x512xf32> to vector<1xf32>
    %reduce_max3A_771 = vector.shape_cast %reduce_max3A_770 : vector<1xf32> to vector<1x1x1xf32>
    %reduce_max3A_772 = vector.extract %reduce_max3A_771[0, 0, 0] : f32 from vector<1x1x1xf32>
    %iota3A_773 = tpu.iota {dimensions = array<i32: 1>} : vector<1x512xi32>
    %eq3A_774 = vector.broadcast %reduce_max3A_772 : f32 to vector<1x512xf32>
    %eq3A_775 = arith.cmpf oeq, %add3A_768, %eq3A_774 : vector<1x512xf32>
    %jit3A_776 = arith.constant 512 : i32
    %broadcast_in_dim3A_777 = vector.broadcast %jit3A_776 : i32 to vector<1x512xi32>
    %select_n3A_778 = arith.select %eq3A_775, %iota3A_773, %broadcast_in_dim3A_777 : vector<1x512xi1>, vector<1x512xi32>
    %reduce_min3A = vector.shape_cast %select_n3A_778 : vector<1x512xi32> to vector<1x1x512xi32>
    %reduce_min3A_779 = arith.constant dense<2147483647> : vector<1xi32>
    %reduce_min3A_780 = vector.multi_reduction <minsi>, %reduce_min3A, %reduce_min3A_779 [1, 2] : vector<1x1x512xi32> to vector<1xi32>
    %reduce_min3A_781 = vector.shape_cast %reduce_min3A_780 : vector<1xi32> to vector<1x1x1xi32>
    %reduce_min3A_782 = vector.extract %reduce_min3A_781[0, 0, 0] : i32 from vector<1x1x1xi32>
    %eq3A_783 = vector.broadcast %reduce_min3A_782 : i32 to vector<1x512xi32>
    %eq3A_784 = arith.cmpi eq, %iota3A_773, %eq3A_783 : vector<1x512xi32>
    %jit3A_785 = arith.constant 0.000000e+00 : f32
    %broadcast_in_dim3A_786 = vector.broadcast %jit3A_785 : f32 to vector<1x512xf32>
    %select_n3A_787 = arith.select %eq3A_784, %mul3A_47, %broadcast_in_dim3A_786 : vector<1x512xi1>, vector<1x512xf32>
    %reduce_sum3A_788 = vector.shape_cast %select_n3A_787 : vector<1x512xf32> to vector<1x1x512xf32>
    %reduce_sum3A_789 = arith.constant dense<0.000000e+00> : vector<1xf32>
    %reduce_sum3A_790 = vector.multi_reduction <add>, %reduce_sum3A_788, %reduce_sum3A_789 [1, 2] : vector<1x1x512xf32> to vector<1xf32>
    %reduce_sum3A_791 = vector.shape_cast %reduce_sum3A_790 : vector<1xf32> to vector<1x1x1xf32>
    %reduce_sum3A_792 = vector.extract %reduce_sum3A_791[0, 0, 0] : f32 from vector<1x1x1xf32>
    %jit3A_793 = arith.constant 0.000000e+00 : f32
    %broadcast_in_dim3A_794 = vector.broadcast %jit3A_793 : f32 to vector<1x512xf32>
    %select_n3A_795 = arith.select %eq3A_784, %neg3A_50, %broadcast_in_dim3A_794 : vector<1x512xi1>, vector<1x512xf32>
    %reduce_sum3A_796 = vector.shape_cast %select_n3A_795 : vector<1x512xf32> to vector<1x1x512xf32>
    %reduce_sum3A_797 = arith.constant dense<0.000000e+00> : vector<1xf32>
    %reduce_sum3A_798 = vector.multi_reduction <add>, %reduce_sum3A_796, %reduce_sum3A_797 [1, 2] : vector<1x1x512xf32> to vector<1xf32>
    %reduce_sum3A_799 = vector.shape_cast %reduce_sum3A_798 : vector<1xf32> to vector<1x1x1xf32>
    %reduce_sum3A_800 = vector.extract %reduce_sum3A_799[0, 0, 0] : f32 from vector<1x1x1xf32>
    %jit3A_801 = arith.constant 0.000000e+00 : f32
    %broadcast_in_dim3A_802 = vector.broadcast %jit3A_801 : f32 to vector<1x512xf32>
    %select_n3A_803 = arith.select %eq3A_784, %mul3A_51, %broadcast_in_dim3A_802 : vector<1x512xi1>, vector<1x512xf32>
    %reduce_sum3A_804 = vector.shape_cast %select_n3A_803 : vector<1x512xf32> to vector<1x1x512xf32>
    %reduce_sum3A_805 = arith.constant dense<0.000000e+00> : vector<1xf32>
    %reduce_sum3A_806 = vector.multi_reduction <add>, %reduce_sum3A_804, %reduce_sum3A_805 [1, 2] : vector<1x1x512xf32> to vector<1xf32>
    %reduce_sum3A_807 = vector.shape_cast %reduce_sum3A_806 : vector<1xf32> to vector<1x1x1xf32>
    %reduce_sum3A_808 = vector.extract %reduce_sum3A_807[0, 0, 0] : f32 from vector<1x1x1xf32>
    %jit3A_809 = arith.constant 0.000000e+00 : f32
    %broadcast_in_dim3A_810 = vector.broadcast %jit3A_809 : f32 to vector<1x512xf32>
    %select_n3A_811 = arith.select %eq3A_784, %sub3A, %broadcast_in_dim3A_810 : vector<1x512xi1>, vector<1x512xf32>
    %reduce_sum3A_812 = vector.shape_cast %select_n3A_811 : vector<1x512xf32> to vector<1x1x512xf32>
    %reduce_sum3A_813 = arith.constant dense<0.000000e+00> : vector<1xf32>
    %reduce_sum3A_814 = vector.multi_reduction <add>, %reduce_sum3A_812, %reduce_sum3A_813 [1, 2] : vector<1x1x512xf32> to vector<1xf32>
    %reduce_sum3A_815 = vector.shape_cast %reduce_sum3A_814 : vector<1xf32> to vector<1x1x1xf32>
    %reduce_sum3A_816 = vector.extract %reduce_sum3A_815[0, 0, 0] : f32 from vector<1x1x1xf32>
    %jit3A_817 = arith.constant 0.000000e+00 : f32
    %broadcast_in_dim3A_818 = vector.broadcast %jit3A_817 : f32 to vector<1x512xf32>
    %select_n3A_819 = arith.select %eq3A_784, %sub3A_57, %broadcast_in_dim3A_818 : vector<1x512xi1>, vector<1x512xf32>
    %reduce_sum3A_820 = vector.shape_cast %select_n3A_819 : vector<1x512xf32> to vector<1x1x512xf32>
    %reduce_sum3A_821 = arith.constant dense<0.000000e+00> : vector<1xf32>
    %reduce_sum3A_822 = vector.multi_reduction <add>, %reduce_sum3A_820, %reduce_sum3A_821 [1, 2] : vector<1x1x512xf32> to vector<1xf32>
    %reduce_sum3A_823 = vector.shape_cast %reduce_sum3A_822 : vector<1xf32> to vector<1x1x1xf32>
    %reduce_sum3A_824 = vector.extract %reduce_sum3A_823[0, 0, 0] : f32 from vector<1x1x1xf32>
    %iota3A_825 = tpu.iota {dimensions = array<i32: 1>} : vector<1x3x3xi32>
    %iota3A_826 = tpu.iota {dimensions = array<i32: 2>} : vector<1x3x3xi32>
    %broadcast_in_dim3A_827 = arith.constant 0.000000e+00 : f32
    %broadcast_in_dim3A_828 = vector.broadcast %broadcast_in_dim3A_827 : f32 to vector<1x3x3xf32>
    %eq3A_829 = arith.constant 0 : i32
    %eq3A_830 = vector.broadcast %eq3A_829 : i32 to vector<1x3x3xi32>
    %eq3A_831 = arith.cmpi eq, %iota3A_825, %eq3A_830 : vector<1x3x3xi32>
    %eq3A_832 = arith.constant 0 : i32
    %eq3A_833 = vector.broadcast %eq3A_832 : i32 to vector<1x3x3xi32>
    %eq3A_834 = arith.cmpi eq, %iota3A_826, %eq3A_833 : vector<1x3x3xi32>
    %and3A_835 = arith.andi %eq3A_831, %eq3A_834 : vector<1x3x3xi1>
    %broadcast_in_dim3A_836 = vector.broadcast %reduce_sum3A_792 : f32 to vector<1x3x3xf32>
    %select_n3A_837 = arith.select %and3A_835, %broadcast_in_dim3A_836, %broadcast_in_dim3A_828 : vector<1x3x3xi1>, vector<1x3x3xf32>
    %eq3A_838 = arith.constant 0 : i32
    %eq3A_839 = vector.broadcast %eq3A_838 : i32 to vector<1x3x3xi32>
    %eq3A_840 = arith.cmpi eq, %iota3A_825, %eq3A_839 : vector<1x3x3xi32>
    %eq3A_841 = arith.constant 1 : i32
    %eq3A_842 = vector.broadcast %eq3A_841 : i32 to vector<1x3x3xi32>
    %eq3A_843 = arith.cmpi eq, %iota3A_826, %eq3A_842 : vector<1x3x3xi32>
    %and3A_844 = arith.andi %eq3A_840, %eq3A_843 : vector<1x3x3xi1>
    %broadcast_in_dim3A_845 = vector.broadcast %reduce_sum3A_800 : f32 to vector<1x3x3xf32>
    %select_n3A_846 = arith.select %and3A_844, %broadcast_in_dim3A_845, %select_n3A_837 : vector<1x3x3xi1>, vector<1x3x3xf32>
    %eq3A_847 = arith.constant 0 : i32
    %eq3A_848 = vector.broadcast %eq3A_847 : i32 to vector<1x3x3xi32>
    %eq3A_849 = arith.cmpi eq, %iota3A_825, %eq3A_848 : vector<1x3x3xi32>
    %eq3A_850 = arith.constant 2 : i32
    %eq3A_851 = vector.broadcast %eq3A_850 : i32 to vector<1x3x3xi32>
    %eq3A_852 = arith.cmpi eq, %iota3A_826, %eq3A_851 : vector<1x3x3xi32>
    %and3A_853 = arith.andi %eq3A_849, %eq3A_852 : vector<1x3x3xi1>
    %broadcast_in_dim3A_854 = vector.broadcast %reduce_sum3A_816 : f32 to vector<1x3x3xf32>
    %select_n3A_855 = arith.select %and3A_853, %broadcast_in_dim3A_854, %select_n3A_846 : vector<1x3x3xi1>, vector<1x3x3xf32>
    %eq3A_856 = arith.constant 1 : i32
    %eq3A_857 = vector.broadcast %eq3A_856 : i32 to vector<1x3x3xi32>
    %eq3A_858 = arith.cmpi eq, %iota3A_825, %eq3A_857 : vector<1x3x3xi32>
    %eq3A_859 = arith.constant 0 : i32
    %eq3A_860 = vector.broadcast %eq3A_859 : i32 to vector<1x3x3xi32>
    %eq3A_861 = arith.cmpi eq, %iota3A_826, %eq3A_860 : vector<1x3x3xi32>
    %and3A_862 = arith.andi %eq3A_858, %eq3A_861 : vector<1x3x3xi1>
    %broadcast_in_dim3A_863 = vector.broadcast %reduce_sum3A_808 : f32 to vector<1x3x3xf32>
    %select_n3A_864 = arith.select %and3A_862, %broadcast_in_dim3A_863, %select_n3A_855 : vector<1x3x3xi1>, vector<1x3x3xf32>
    %eq3A_865 = arith.constant 1 : i32
    %eq3A_866 = vector.broadcast %eq3A_865 : i32 to vector<1x3x3xi32>
    %eq3A_867 = arith.cmpi eq, %iota3A_825, %eq3A_866 : vector<1x3x3xi32>
    %eq3A_868 = arith.constant 1 : i32
    %eq3A_869 = vector.broadcast %eq3A_868 : i32 to vector<1x3x3xi32>
    %eq3A_870 = arith.cmpi eq, %iota3A_826, %eq3A_869 : vector<1x3x3xi32>
    %and3A_871 = arith.andi %eq3A_867, %eq3A_870 : vector<1x3x3xi1>
    %broadcast_in_dim3A_872 = vector.broadcast %reduce_sum3A_792 : f32 to vector<1x3x3xf32>
    %select_n3A_873 = arith.select %and3A_871, %broadcast_in_dim3A_872, %select_n3A_864 : vector<1x3x3xi1>, vector<1x3x3xf32>
    %eq3A_874 = arith.constant 1 : i32
    %eq3A_875 = vector.broadcast %eq3A_874 : i32 to vector<1x3x3xi32>
    %eq3A_876 = arith.cmpi eq, %iota3A_825, %eq3A_875 : vector<1x3x3xi32>
    %eq3A_877 = arith.constant 2 : i32
    %eq3A_878 = vector.broadcast %eq3A_877 : i32 to vector<1x3x3xi32>
    %eq3A_879 = arith.cmpi eq, %iota3A_826, %eq3A_878 : vector<1x3x3xi32>
    %and3A_880 = arith.andi %eq3A_876, %eq3A_879 : vector<1x3x3xi1>
    %broadcast_in_dim3A_881 = vector.broadcast %reduce_sum3A_824 : f32 to vector<1x3x3xf32>
    %select_n3A_882 = arith.select %and3A_880, %broadcast_in_dim3A_881, %select_n3A_873 : vector<1x3x3xi1>, vector<1x3x3xf32>
    %eq3A_883 = arith.constant 2 : i32
    %eq3A_884 = vector.broadcast %eq3A_883 : i32 to vector<1x3x3xi32>
    %eq3A_885 = arith.cmpi eq, %iota3A_825, %eq3A_884 : vector<1x3x3xi32>
    %eq3A_886 = arith.constant 2 : i32
    %eq3A_887 = vector.broadcast %eq3A_886 : i32 to vector<1x3x3xi32>
    %eq3A_888 = arith.cmpi eq, %iota3A_826, %eq3A_887 : vector<1x3x3xi32>
    %and3A_889 = arith.andi %eq3A_885, %eq3A_888 : vector<1x3x3xi1>
    %jit3A_890 = arith.constant 1.000000e+00 : f32
    %broadcast_in_dim3A_891 = vector.broadcast %jit3A_890 : f32 to vector<1x3x3xf32>
    %select_n3A_892 = arith.select %and3A_889, %broadcast_in_dim3A_891, %select_n3A_882 : vector<1x3x3xi1>, vector<1x3x3xf32>
    %swap3A_893 = arith.constant 0 : index
    %swap3A_894 = arith.constant 0 : index
    %swap3A_895 = arith.constant 0 : index
    %swap3A_896 = vector.load %arg9[%swap3A_893, %swap3A_894, %swap3A_895] : memref<1x3x3xf32, #tpu.memory_space<vmem>>, vector<1x3x3xf32>
    tpu.vector_store %arg9[%swap3A_893, %swap3A_894, %swap3A_895], %select_n3A_892 {strides = array<i32>} : memref<1x3x3xf32, #tpu.memory_space<vmem>>, vector<1x3x3xf32>,
    %eq3A_897 = arith.constant 0.000000e+00 : f32
    %eq3A_898 = arith.cmpf oeq, %reduce_max3A_772, %eq3A_897 : f32
    %broadcast_in_dim3A_899 = arith.constant 1.000000e+00 : f32
    %broadcast_in_dim3A_900 = vector.broadcast %broadcast_in_dim3A_899 : f32 to vector<1x1x1xf32>
    %broadcast_in_dim3A_901 = arith.constant 0.000000e+00 : f32
    %broadcast_in_dim3A_902 = vector.broadcast %broadcast_in_dim3A_901 : f32 to vector<1x1x1xf32>
    %select_n3A_903 = arith.select %eq3A_898, %broadcast_in_dim3A_900, %broadcast_in_dim3A_902 : vector<1x1x1xf32>
    %swap3A_904 = arith.constant 0 : index
    %swap3A_905 = arith.constant 0 : index
    %swap3A_906 = arith.constant 0 : index
    %swap3A_907 = vector.load %arg10[%swap3A_904, %swap3A_905, %swap3A_906] : memref<1x1x1xf32, #tpu.memory_space<vmem>>, vector<1x1x1xf32>
    tpu.vector_store %arg10[%swap3A_904, %swap3A_905, %swap3A_906], %select_n3A_903 {strides = array<i32>} : memref<1x1x1xf32, #tpu.memory_space<vmem>>, vector<1x1x1xf32>,
    %get3A_908 = arith.constant 0 : index
    %get3A_909 = arith.constant 0 : index
    %get3A_910 = vector.load %arg12[%get3A_908, %get3A_909] : memref<512x512xf32, #tpu.memory_space<vmem>>, vector<512x512xf32>
    %le3A_911 = arith.constant 25.0000019 : f32
    %le3A_912 = vector.broadcast %le3A_911 : f32 to vector<512x512xf32>
    %le3A_913 = arith.cmpf ole, %get3A_910, %le3A_912 : vector<512x512xf32>
    %convert_element_type3A_914 = arith.extui %le3A_913 : vector<512x512xi1> to vector<512x512xi32>
    %convert_element_type3A_915 = arith.sitofp %convert_element_type3A_914 : vector<512x512xi32> to vector<512x512xf32>
    %jit3A_916 = arith.constant 0.000000e+00 : f32
    %broadcast_in_dim3A_917 = vector.shape_cast %eq3A_784 : vector<1x512xi1> to vector<1x512xi1>
    %broadcast_in_dim3A_918 = vector.broadcast %broadcast_in_dim3A_917 : vector<1x512xi1> to vector<512x512xi1>
    %broadcast_in_dim3A_919 = vector.broadcast %jit3A_916 : f32 to vector<512x512xf32>
    %select_n3A_920 = arith.select %broadcast_in_dim3A_918, %convert_element_type3A_915, %broadcast_in_dim3A_919 : vector<512x512xi1>, vector<512x512xf32>
    %reduce_max3A_921 = arith.constant dense<0xFF800000> : vector<512xf32>
    %reduce_max3A_922 = vector.multi_reduction <maximumf>, %select_n3A_920, %reduce_max3A_921 [1] : vector<512x512xf32> to vector<512xf32>
    %broadcast_in_dim3A_923 = vector.shape_cast %reduce_max3A_922 : vector<512xf32> to vector<512x1xf32>
    %iota3A_924 = tpu.iota {dimensions = array<i32: 0>} : vector<512x1xi32>
    %eq3A_925 = vector.broadcast %reduce_min3A_782 : i32 to vector<512x1xi32>
    %eq3A_926 = arith.cmpi eq, %iota3A_924, %eq3A_925 : vector<512x1xi32>
    %jit3A_927 = arith.constant 0.000000e+00 : f32
    %broadcast_in_dim3A_928 = vector.broadcast %jit3A_927 : f32 to vector<512x1xf32>
    %select_n3A_929 = arith.select %eq3A_926, %broadcast_in_dim3A_928, %broadcast_in_dim3A_923 : vector<512x1xi1>, vector<512x1xf32>
    %get3A_930 = arith.constant 0 : index
    %get3A_931 = arith.constant 0 : index
    %get3A_932 = vector.load %arg13[%get3A_930, %get3A_931] : memref<512x512xf32, #tpu.memory_space<vmem>>, vector<512x512xf32>
    %dot_general3A = arith.constant dense<0.000000e+00> : vector<512x1xf32>
    %dot_general3A_933 = tpu.matmul %get3A_932, %select_n3A_929, %dot_general3A {dimension_numbers = #tpu.dot_dimension_numbers<[1], [0], [0], [1], [0, 0, 1, 1], [], []>, transpose_lhs_hint = false} : vector<512x512xf32>, vector<512x1xf32>, vector<512x1xf32> -> vector<512x1xf32>
    %reduce_max3A_934 = vector.shape_cast %dot_general3A_933 : vector<512x1xf32> to vector<1x512x1xf32>
    %reduce_max3A_935 = arith.constant dense<0xFF800000> : vector<1xf32>
    %reduce_max3A_936 = vector.multi_reduction <maximumf>, %reduce_max3A_934, %reduce_max3A_935 [1, 2] : vector<1x512x1xf32> to vector<1xf32>
    %reduce_max3A_937 = vector.shape_cast %reduce_max3A_936 : vector<1xf32> to vector<1x1x1xf32>
    %reduce_max3A_938 = vector.extract %reduce_max3A_937[0, 0, 0] : f32 from vector<1x1x1xf32>
    %get3A_939 = arith.constant 0 : index
    %get3A_940 = arith.constant 0 : index
    %get3A_941 = vector.load %arg14[%get3A_939, %get3A_940] : memref<512x512xf32, #tpu.memory_space<vmem>>, vector<512x512xf32>
    %eq3A_942 = vector.broadcast %dot_general3A_933 : vector<512x1xf32> to vector<512x512xf32>
    %eq3A_943 = arith.cmpf oeq, %eq3A_942, %get3A_941 : vector<512x512xf32>
    %gt3A = arith.constant 0.000000e+00 : f32
    %gt3A_944 = vector.broadcast %gt3A : f32 to vector<512x1xf32>
    %gt3A_945 = arith.cmpf ogt, %select_n3A_929, %gt3A_944 : vector<512x1xf32>
    %and3A_946 = vector.broadcast %gt3A_945 : vector<512x1xi1> to vector<512x512xi1>
    %and3A_947 = arith.andi %eq3A_943, %and3A_946 : vector<512x512xi1>
    %jit3A_948 = arith.constant 1.000000e+00 : f32
    %jit3A_949 = arith.constant 0.000000e+00 : f32
    %broadcast_in_dim3A_950 = vector.broadcast %jit3A_948 : f32 to vector<512x512xf32>
    %broadcast_in_dim3A_951 = vector.broadcast %jit3A_949 : f32 to vector<512x512xf32>
    %select_n3A_952 = arith.select %and3A_947, %broadcast_in_dim3A_950, %broadcast_in_dim3A_951 : vector<512x512xi1>, vector<512x512xf32>
    %get3A_953 = arith.constant 0 : index
    %get3A_954 = arith.constant 0 : index
    %get3A_955 = vector.load %arg15[%get3A_953, %get3A_954] : memref<512x512xf32, #tpu.memory_space<vmem>>, vector<512x512xf32>
    %mul3A_956 = arith.mulf %select_n3A_952, %get3A_955 : vector<512x512xf32>
    %reduce_sum3A_957 = arith.constant dense<0.000000e+00> : vector<512xf32>
    %reduce_sum3A_958 = vector.multi_reduction <add>, %mul3A_956, %reduce_sum3A_957 [0] : vector<512x512xf32> to vector<512xf32>
    %broadcast_in_dim3A_959 = vector.shape_cast %reduce_sum3A_958 : vector<512xf32> to vector<1x512xf32>
    %convert_element_type3A_960 = arith.sitofp %iota3A_773 : vector<1x512xi32> to vector<1x512xf32>
    %lt3A = vector.broadcast %reduce_max3A_938 : f32 to vector<1x512xf32>
    %lt3A_961 = arith.cmpf olt, %convert_element_type3A_960, %lt3A : vector<1x512xf32>
    %jit3A_962 = arith.constant 5.120000e+02 : f32
    %broadcast_in_dim3A_963 = vector.broadcast %jit3A_962 : f32 to vector<1x512xf32>
    %select_n3A_964 = arith.select %lt3A_961, %broadcast_in_dim3A_959, %broadcast_in_dim3A_963 : vector<1x512xi1>, vector<1x512xf32>
    %convert_element_type3A_965 = arith.fptosi %select_n3A_964 : vector<1x512xf32> to vector<1x512xi32>
    %swap3A_966 = arith.constant 0 : index
    %swap3A_967 = arith.constant 0 : index
    %swap3A_968 = arith.constant 0 : index
    %swap3A_969 = vector.load %arg11[%swap3A_966, %swap3A_967, %swap3A_968] : memref<1x1x512xi32, #tpu.memory_space<vmem>>, vector<1x1x512xi32>
    %swap3A_970 = vector.shape_cast %swap3A_969 : vector<1x1x512xi32> to vector<1x512xi32>
    %swap3A_971 = vector.shape_cast %convert_element_type3A_965 : vector<1x512xi32> to vector<1x1x512xi32>
    tpu.vector_store %arg11[%swap3A_966, %swap3A_967, %swap3A_968], %swap3A_971 {strides = array<i32>} : memref<1x1x512xi32, #tpu.memory_space<vmem>>, vector<1x1x512xi32>,
    return
  }
  func.func @transform_0(%arg0: i32) -> (i32, i32, i32) {
    %c0_i32 = arith.constant 0 : i32
    %c0_i32_0 = arith.constant 0 : i32
    %c0_i32_1 = arith.constant 0 : i32
    return %arg0, %c0_i32, %c0_i32_0 : i32, i32, i32
  }
  func.func @transform_1(%arg0: i32) -> (i32, i32, i32) {
    %c0_i32 = arith.constant 0 : i32
    %c0_i32_0 = arith.constant 0 : i32
    %c0_i32_1 = arith.constant 0 : i32
    return %arg0, %c0_i32, %c0_i32_0 : i32, i32, i32
  }
  func.func @transform_2(%arg0: i32) -> (i32, i32, i32) {
    %c0_i32 = arith.constant 0 : i32
    %c0_i32_0 = arith.constant 0 : i32
    %c0_i32_1 = arith.constant 0 : i32
    return %arg0, %c0_i32, %c0_i32_0 : i32, i32, i32
  }
  func.func @transform_3(%arg0: i32) -> (i32, i32, i32) {
    %c0_i32 = arith.constant 0 : i32
    %c0_i32_0 = arith.constant 0 : i32
    %c0_i32_1 = arith.constant 0 : i32
    return %arg0, %c0_i32, %c0_i32_0 : i32, i32, i32
  }
  func.func @transform_4(%arg0: i32) -> (i32, i32, i32) {
    %c0_i32 = arith.constant 0 : i32
    %c0_i32_0 = arith.constant 0 : i32
    %c0_i32_1 = arith.constant 0 : i32
    return %arg0, %c0_i32, %c0_i32_0 : i32, i32, i32
  }
  func.func @transform_5(%arg0: i32) -> (i32, i32, i32) {
    %c0_i32 = arith.constant 0 : i32
    %c0_i32_0 = arith.constant 0 : i32
    %c0_i32_1 = arith.constant 0 : i32
    return %arg0, %c0_i32, %c0_i32_0 : i32, i32, i32
  }
  func.func @transform_6(%arg0: i32) -> (i32, i32, i32) {
    %c0_i32 = arith.constant 0 : i32
    %c0_i32_0 = arith.constant 0 : i32
    %c0_i32_1 = arith.constant 0 : i32
    return %arg0, %c0_i32, %c0_i32_0 : i32, i32, i32
  }
  func.func @transform_7(%arg0: i32) -> (i32, i32, i32) {
    %c0_i32 = arith.constant 0 : i32
    %c0_i32_0 = arith.constant 0 : i32
    %c0_i32_1 = arith.constant 0 : i32
    return %arg0, %c0_i32, %c0_i32_0 : i32, i32, i32
  }
  func.func @transform_8(%arg0: i32) -> (i32, i32, i32) {
    %c0_i32 = arith.constant 0 : i32
    %c0_i32_0 = arith.constant 0 : i32
    %c0_i32_1 = arith.constant 0 : i32
    return %arg0, %c0_i32, %c0_i32_0 : i32, i32, i32
  }
  func.func @transform_9(%arg0: i32) -> (i32, i32, i32) {
    %c0_i32 = arith.constant 0 : i32
    %c0_i32_0 = arith.constant 0 : i32
    %c0_i32_1 = arith.constant 0 : i32
    return %arg0, %c0_i32, %c0_i32_0 : i32, i32, i32
  }
  func.func @transform_10(%arg0: i32) -> (i32, i32, i32) {
    %c0_i32 = arith.constant 0 : i32
    %c0_i32_0 = arith.constant 0 : i32
    %c0_i32_1 = arith.constant 0 : i32
    return %arg0, %c0_i32, %c0_i32_0 : i32, i32, i32
  }
}

</mosaic_0001>

<sc_bundles>
// kernel: _run.4.cloned.1.call-start
scs
__scs_entry_jumppad:
0x0: {  	(pc) =	sbr.rel $0x88, $3  }
0x1: {  	(tag) =	ssettag $0x0;
	lr =	simm.s32 $0x1  }
0x2: {  	[smem:$0x3F9C] =	sst lr;
	_ =	strace $0xD0000000  }
0x3: {  	_ = 	snop  }
0x4: {  	_ = 	snop  }
0x5: {  	_ = 	snop  }
0x6: {  	_ = 	snop  }
0x7: {  	_ = 	snop  }
__scs_overlays_trampoline_lowered:
0x8: {  	[smem:$0x3FAB] =	sst s0  }
0x9: {  	[smem:$0x3FAC] =	sst s1  }
0xa: {  	[smem:$0x3FAD] =	sst s2  }
0xb: {  	[smem:$0x3FAE] =	sst s3  }
0xc: {  	[smem:$0x3FAF] =	sst s4  }
0xd: {  	[smem:$0x3FB0] =	sst s5  }
0xe: {  	[smem:$0x3FB1] =	sst s6  }
0xf: {  	[smem:$0x3FB2] =	sst s7  }
0x10: {  	[smem:$0x3FB3] =	sst s8  }
0x11: {  	[smem:$0x3FB4] =	sst s9;
	s0 =	simm.s32 @!p0 $0x0  }
0x12: {  	s1 =	sld [smem:$0x3F9A];
	s0 =	simm.s32 @p0 $0x1  }
0x13: {  	[smem:$0x3FB5] =	sst s0;
	s0 =	simm.s32 @!p1 $0x0  }
0x14: {  	s2 =	sld [smem:$0x3F99];
	s0 =	simm.s32 @p1 $0x1  }
0x15: {  	[smem:$0x3FB6] =	sst s0;
	s0 =	simm.s32 @!p2 $0x0  }
0x16: {  	s3 =	sld [smem:$0x3FDB];
	s0 =	simm.s32 @p2 $0x1  }
0x17: {  	s4 =	simm.s32 $0x1BF5;
	[smem:$0x3FB8] =	sst s0  }
0x18: {  	s0 =	sld [smem:$0x3F9B];
	_ =	swait.ge [sflag:s4], $0x0  }
0x19: {  	s7 =	sld [smem:$0x3F9C]  }
0x1a: {  	s8 =	sadd.s32 $0xFFFFE003, lr  }
0x1b: {  	s9 =	sadd.s32 $0xFFFFFEF7, lr;
	s5 =	simm.s32 $0xFFFFFFFF;
	p2 =	slt.u32 s8, $0xFFFFF086  }
0x1c: {  	p1 =	slt.u32 s9, $0xF7A;
	s5 =	simm.s32 @!p2 $0x0  }
0x1d: {  	s5 =	simm.s32 @p1 $0x1;
	p0 =	seq.s32 s7, s2  }
0x1e: {  	s7 =	smul.u32 @!p0 $0xF7A, s2;
	p2 =	seq.s32 @!p0 s5, $0x0  }
0x1f: {  	s9 =	smul.u32 $0xF7A, s1;
	s8 =	simm.s32 @!p0 $0x1BF5;
	p2 =	por !p2, p0  }
0x20: {  	[sflag:s8] =	ssyncset.s32 @!p0 $0xFFFFF086;
	s6 =	sadd.s32 @!p0 s3, s7;
	s7 =	simm.s32 @!p0 $0x108  }
0x21: {  	s3 =	sadd.s32 s3, s9;
	s6 =	sadd.s32 @!p0 $0x88, s6;
	s7 =	simm.s32 @p2 $0x1082  }
0x22: {  	[simem:s7], [sflag:s8] =	dma.local @!p0 [hbm:s6], $0xF7A  }
0x23: {  	s9 =	sor.u32 $0xD0000000, s2;
	s6 =	simm.s32 $0x108;
	_ =	swait.ge @!p0 [sflag:s8], $0x0  }
0x24: {  	s3 =	sadd.s32 $0x88, s3;
	s6 =	simm.s32 @!p1 $0x1082;
	[sflag:s4] =	ssyncset.s32 $0xFFFFF086  }
0x25: {  	[simem:s6], [sflag:s4] =	dma.local [hbm:s3], $0xF7A  }
0x26: {  	[smem:$0x3F9C] =	sst s1;
	(tag) =	ssettag s2;
	_ =	strace s9  }
0x27: {  	s1 =	sld [smem:$0x3FAC]  }
0x28: {  	s2 =	sld [smem:$0x3FAD]  }
0x29: {  	s4 =	sld [smem:$0x3FAF]  }
0x2a: {  	p0 =	seq.s32 s5, $0x0;
	s5 =	sld [smem:$0x3FB0]  }
0x2b: {  	s6 =	sld [smem:$0x3FB1]  }
0x2c: {  	s7 =	sld [smem:$0x3FB2]  }
0x2d: {  	s3 =	simm.s32 $0x108;
	s8 =	sld [smem:$0x3FB3]  }
0x2e: {  	s3 =	simm.s32 @!p0 $0x1082;
	s9 =	sld [smem:$0x3FB4]  }
0x2f: {  	lr =	sadd.s32 s0, s3;
	s0 =	sld [smem:$0x3FAB]  }
0x30: {  	s3 =	sld [smem:$0x3FAE]  }
0x31: {  	[smem:$0x3FB7] =	sst s10  }
0x32: {  	s10 =	sld [smem:$0x3FB5];
	_ =	sdelay $0x3  }
0x33: {  	p0 =	seq.s32 s10, $0x1;
	s10 =	sld [smem:$0x3FB7];
	_ =	sdelay $0x3  }
0x34: {  	[smem:$0x3FB7] =	sst s10  }
0x35: {  	s10 =	sld [smem:$0x3FB6];
	_ =	sdelay $0x3  }
0x36: {  	p1 =	seq.s32 s10, $0x1;
	s10 =	sld [smem:$0x3FB7];
	_ =	sdelay $0x3  }
0x37: {  	[smem:$0x3FB7] =	sst s10  }
0x38: {  	s10 =	sld [smem:$0x3FB8]  }
0x39: {  	_ = 	snop;
	(pc) =	sbr.ind lr, $3  }
0x3a: {  	_ = 	snop  }
0x3b: {  	_ = 	snop  }
0x3c: {  	p2 =	seq.s32 s10, $0x1;
	s10 =	sld [smem:$0x3FB7]  }
0x3d: {  	_ =	shalt  }
0x3e: {  	_ =	shalt  }
0x3f: {  	_ =	shalt  }
0x40: {  	_ =	shalt  }
0x41: {  	_ =	shalt  }
0x42: {  	_ =	shalt  }
0x43: {  	_ =	shalt  }
0x44: {  	_ =	shalt  }
0x45: {  	_ =	shalt  }
0x46: {  	_ =	shalt  }
0x47: {  	_ =	shalt  }
0x48: {  	_ =	shalt  }
0x49: {  	_ =	shalt  }
0x4a: {  	_ =	shalt  }
0x4b: {  	_ =	shalt  }
0x4c: {  	_ =	shalt  }
0x4d: {  	_ =	shalt  }
0x4e: {  	_ =	shalt  }
0x4f: {  	_ =	shalt  }
0x50: {  	_ =	shalt  }
0x51: {  	_ =	shalt  }
0x52: {  	_ =	shalt  }
0x53: {  	_ =	shalt  }
0x54: {  	_ =	shalt  }
0x55: {  	_ =	shalt  }
0x56: {  	_ =	shalt  }
0x57: {  	_ =	shalt  }
0x58: {  	_ =	shalt  }
0x59: {  	_ =	shalt  }
0x5a: {  	_ =	shalt  }
0x5b: {  	_ =	shalt  }
0x5c: {  	_ =	shalt  }
0x5d: {  	_ =	shalt  }
0x5e: {  	_ =	shalt  }
0x5f: {  	_ =	shalt  }
0x60: {  	_ =	shalt  }
0x61: {  	_ =	shalt  }
0x62: {  	_ =	shalt  }
0x63: {  	_ =	shalt  }
0x64: {  	_ =	shalt  }
0x65: {  	_ =	shalt  }
0x66: {  	_ =	shalt  }
0x67: {  	_ =	shalt  }
0x68: {  	_ =	shalt  }
0x69: {  	_ =	shalt  }
0x6a: {  	_ =	shalt  }
0x6b: {  	_ =	shalt  }
0x6c: {  	_ =	shalt  }
0x6d: {  	_ =	shalt  }
0x6e: {  	_ =	shalt  }
0x6f: {  	_ =	shalt  }
0x70: {  	_ =	shalt  }
0x71: {  	_ =	shalt  }
0x72: {  	_ =	shalt  }
0x73: {  	_ =	shalt  }
0x74: {  	_ =	shalt  }
0x75: {  	_ =	shalt  }
0x76: {  	_ =	shalt  }
0x77: {  	_ =	shalt  }
0x78: {  	_ =	shalt  }
0x79: {  	_ =	shalt  }
0x7a: {  	_ =	shalt  }
0x7b: {  	_ =	shalt  }
0x7c: {  	_ =	shalt  }
0x7d: {  	_ =	shalt  }
0x7e: {  	_ =	shalt  }
0x7f: {  	_ =	shalt  }
0x80: {  	_ =	shalt  }
0x81: {  	_ =	shalt  }
0x82: {  	_ =	shalt  }
0x83: {  	_ =	shalt  }
0x84: {  	_ =	shalt  }
0x85: {  	_ =	shalt  }
0x86: {  	_ =	shalt  }
0x87: {  	_ =	shalt  }
.Lfunc_end0:
.L_simem_size_0:
called_computation_lowered:
.L_overlay_start_0:
0x88: {  	s2 =	sld [smem:$0x3FD9]  }
0x89: {  	s3 =	sld [smem:$0x3FFE];
	_ =	sdelay $0x1  }
0x8a: {  	s1 =	srdreg.scid  }
0x8b: {  	s0 =	sand.u32 $0x1, s1  }
0x8c: {  	s14 =	sshll.u32 s0, $0xA;
	s2 =	sadd.s32 s3, s2  }
0x8d: {  	s2 =	sadd.s32 s2, s14  }
0x8e: {  	[smem:$0x3FC3] =	sst s2  }
0x8f: {  	_ = 	snop  }
0x90: {  	s2 =	sld [smem:$0x3FD0];
	_ =	sdelay $0x2  }
0x91: {  	s15 =	simm.s32 $0xA;
	s4 =	simm.s32 $0x10  }
0x92: {  	[smem:s4], [sflag:s15] =	dma.local [hbm:s2], $0x1  }
0x93: {  	_ =	swait.eq [sflag:s15], $0x1  }
0x94: {  	[sflag:s15] =	ssyncset.done $0x0  }
0x95: {  	[sflag:s15] =	ssyncadd.s32 $0xFFFFFFFF  }
0x96: {  	s16 =	sld [smem:$0x14];
	(tm) =	ssettm $0x1  }
0x97: {  	s17 =	sld [smem:$0x3FFB];
	_ =	sdelay $0x3  }
0x98: {  	_ =	strace s17  }
0x99: {  	s3 =	sld [smem:$0x3FFC];
	_ =	sdelay $0x3  }
0x9a: {  	_ =	strace s3  }
0x9b: {  	s3 =	sld [smem:$0x3FFD];
	_ =	sdelay $0x3  }
0x9c: {  	_ =	strace s3  }
0x9d: {  	_ =	strace $0x8FFFFFFF  }
0x9e: {  	s18 =	sld [smem:$0x3FDB];
	_ =	sdelay $0x1  }
0x9f: {  	s19 =	simm.s32 $_scs_section_size  }
0xa0: {  	s5 =	simm.s32 $_size__tile_overlayer_lowered;
	s6 =	simm.s32 $_tile_overlayer_lowered  }
0xa1: {  	s22 =	simm.s32 $0x1BFF;
	s21 =	sshll.u32 s6, $0x1;
	s3 =	sadd.s32 s19, s18  }
0xa2: {  	s7 =	simm.s32 $0x0;
	s20 =	sshll.u32 s5, $0x1;
	s5 =	sadd.s32 s21, s3  }
0xa3: {  	[timem:s7], [sflag:s22] =	dma.local [hbm:s5], s20  }
0xa4: {  	_ =	swait.ge [sflag:s22], s20  }
0xa5: {  	s4 =	ssub.s32 $0x0, s20;
	[sflag:s22] =	ssyncset.done $0x0  }
0xa6: {  	[sflag:s22] =	ssyncadd.s32 s4;
	_ =	sdelay $0x1  }
0xa7: {  	s23 =	simm.s32 $0x1B8B  }
0xa8: {  	_ =	swait.ge [sflag:s23], $0x1  }
0xa9: {  	[sflag:s23] =	ssyncset.done $0x0  }
0xaa: {  	s25 =	simm.s32 $0x1B8E;
	s24 =	sld [smem:$0x3FFE];
	[sflag:s23] =	ssyncadd.s32 $0xFFFFFFFF  }
0xab: {  	s26 =	simm.s32 $execute0_lowered;
	[smem:$0x3FD2] =	sst s25  }
0xac: {  	s5 =	sshll.u32 s26, $0x1;
	_ =	strace $0x80000046;
	[dreg:$0x1] =	wrdreg $0xFFFFFFFF  }
0xad: {  	s28 =	simm.s32 $_size_execute0_lowered;
	s3 =	sadd.s32 s3, s5;
	[dreg:$0x0] =	wrdreg $0x0  }
0xae: {  	s5 =	sshll.u32 s28, $0x1;
	[dreg:$0x2] =	wrdreg s3  }
0xaf: {  	[dreg:$0x3] =	wrdreg s5  }
0xb0: {  	[dreg:$0x4] =	wrdreg $0xC0  }
0xb1: {  	_ =	task [dreg:s7], $0x5FFFF  }
0xb2: {  	[dreg:$0x1] =	wrdreg $0xFFFFFFFF  }
0xb3: {  	[dreg:$0x0] =	wrdreg $0x60  }
0xb4: {  	[dreg:$0x2] =	wrdreg s24  }
0xb5: {  	[dreg:$0x3] =	wrdreg s16  }
0xb6: {  	[dreg:$0x4] =	wrdreg $0x9  }
0xb7: {  	_ =	task.clear_ibuf [dreg:s7], $0x5FFFF;
	_ =	strace $0x90000046  }
0xb8: {  	s29 =	simm.s32 $0x9;
	_ =	strace $0x80000048  }
0xb9: {  	_ =	swait.ge [sflag:s29], $0x1  }
0xba: {  	[sflag:s29] =	ssyncadd.s32 $0xFFFFFFFF  }
0xbb: {  	_ =	strace $0x90000048  }
0xbc: {  	_ =	sfence  }
0xbd: {  	s30 =	sld [smem:$0x0];
	_ =	sdelay $0x2  }
0xbe: {  	s31 =	sshll.u32 s1, $0xD;
	s1 =	sshrl.u32 s1, $0x2  }
0xbf: {  	s3 =	sand.u32 $0x4000, s31;
	s1 =	sadd.s32 s1, s30  }
0xc0: {  	s0 =	sor.u32 s3, s0;
	s1 =	sshll.u32 s1, $0x11  }
0xc1: {  	s0 =	sor.u32 s1, s0  }
0xc2: {  	s0 =	sadd.s32 $0x8F2B, s0  }
0xc3: {  	[sflag:s0] =	ssyncadd.remote.s32 $0x1  }
0xc4: {  	_ =	sfence.sel $0xFFFF  }
0xc5: {  	[dreg:$0x0] =	wrdreg $0xFFFFFFFF;
	(pc) =	sbr.abs _section_cstart, $3  }
0xc6: {  	[dreg:$0x1] =	wrdreg $0xFFFFFFFF  }
0xc7: {  	_ =	task.clear_ibuf [dreg:s7], $0x2FFFF;
	_ =	strace $0x9FFFFFFF  }
0xc8: {  	(tm) =	ssettm $0x7FFFFFFF  }
0xc9: {  	_ =	shalt  }
tec
execute0_lowered:
.L_overlay_start_1:
0x0: {  	(tag) =	ssettag $0x1  }
0x1: {  	s3 =	rddreg [dreg:$0x0];
	s1 =	srdreg.scid  }
0x2: {  	s0 =	stileid.u32;
	s9 =	rddreg [dreg:$0x1];
	s2 =	simm.s32 $0x0  }
0x3: {  	s4 =	sand.u32 $0x1, s1;
	s5 =	sshll.u32 s0, $0x1;
	s1 =	rddreg [dreg:$0x2]  }
0x4: {  	[smem:$0x7FF] =	sst s2;
	s10 =	sadd.s32 $0xE00, s3;
	s8 =	sshll.u32 s0, $0xA  }
0x5: {  	s13 =	sadd.s32 $0x2200, s3;
	s6 =	sor.u32 s4, s5;
	s4 =	ssub.s32 $0x2, s4  }
0x6: {  	_ =	strace $0x80000047;
	s5 =	smul.u32 $0x34, s6;
	s7 =	sshrl.u32 s4, $0x1  }
0x7: {  	s11 =	sshll.u32 s6, $0x7;
	s19 =	sor.u32 $0x20, s6;
	s24 =	sor.u32 $0x40, s6  }
0x8: {  	s14 =	ssub.s32 s4, s7;
	s17 =	sor.u32 s8, s11;
	s21 =	smul.u32 $0x34, s19  }
0x9: {  	s11 =	sand.u32 $0x380, s11;
	s23 =	sshll.u32 s19, $0x9;
	s16 =	smul.u32 $0x67, s24  }
0xa: {  	s5 =	sshrl.u32 s5, $0x8;
	s3 =	sand.u32 $0x3380, s17;
	s17 =	simm.f32 $0.0e+00  }
0xb: {  	s8 =	sand.u32 $0x7000, s23;
	s12 =	smul.u32 $0x5, s5;
	s20 =	sshrl.u32 s3, $0x3  }
0xc: {  	s22 =	sshrl.u32 s21, $0x8;
	s5 =	sshll.u32 s5, $0x4;
	s25 =	sor.u32 s11, s8  }
0xd: {  	s26 =	sshrl.u32 s21, $0x4;
	s28 =	sshrl.u32 s21, $0x2;
	s29 =	sshrl.u32 s16, $0x9  }
0xe: {  	s16 =	sshrl.u32 s16, $0x5;
	s3 =	sadd.s32 s10, s20;
	s15 =	smul.u32 $0x5, s22  }
0xf: {  	s8 =	sshrl.u32 s25, $0x3;
	s30 =	sand.u32 $0x70, s16;
	s16 =	simm.s32 $0x280  }
0x10: {  	s18 =	ssub.s32 s6, s12;
	s6 =	sand.u32 $0x70, s26;
	s12 =	smul.u32 $0x5, s29  }
0x11: {  	s31 =	sadd.s32 s30, s9;
	s4 =	sand.u32 $0xFF, s18;
	s18 =	simm.f32 $0.0e+00  }
0x12: {  	s7 =	ssub.s32 s19, s15;
	s19 =	sadd.s32 s9, s6;
	s6 =	sadd.s32 s10, s8  }
0x13: {  	s15 =	sshll.u32 s24, $0x9;
	s8 =	sadd.s32 s13, s8;
	p0 =	seq.s32 s4, $0x4  }
0x14: {  	s4 =	sadd.s32 s5, s9;
	s5 =	sadd.s32 s13, s20;
	s7 =	sand.u32 $0xFF, s7  }
0x15: {  	s12 =	ssub.s32 s24, s12;
	s15 =	sand.u32 $0x9000, s15;
	s18 =	simm.s32 @!p0 $0xBF800000  }
0x16: {  	p0 =	seq.s32 s7, $0x4;
	s7 =	sand.u32 $0x200, s28;
	s11 =	sor.u32 s11, s15  }
0x17: {  	s12 =	sand.u32 $0xFF, s12;
	s15 =	simm.s32 $0x1;
	s7 =	sadd.s32 s7, s19  }
.Ltmp0:
0x18: {  	s19 =	simm.f32 $0.0e+00;
	s11 =	sshrl.u32 s11, $0x3;
	(pc) =	sbr.rel .LBB2_1-.Ltmp0, $4  }
0x19: {  	v0 =	vmov s18;
	s18 =	simm.s32 $0x0;
	s19 =	simm.s32 @!p0 $0xBF800000;
	p0 =	seq.s32 s12, $0x4  }
0x1a: {  	s9 =	sadd.s32 s10, s11;
	s10 =	sadd.s32 $0x200, s31;
	s11 =	sadd.s32 s13, s11  }
0x1b: {  	s12 =	smax.u32 s14, $0x1;
	s13 =	simm.s32 $0x80;
	s17 =	simm.s32 @!p0 $0xBF800000  }
0x1c: {  	s14 =	simm.s32 $0x400;
	v1 =	vmov s19;
	p0 =	sgt.u32 s0, $0x7;
	v2 =	vmov s17;
	s17 =	simm.s32 $0x480  }
.LBB2_8:
0x1d: {  	v4 =	vld [tilespmem:s20+$0x280];
	_ =	sdelay $0x6  }
0x1e: {  	[tilespmem:s19+$0x480] =	vst v3  }
0x1f: {  	v3 =	vld.idx.msk [tilespmem:v4+s2+$0x0], $0xffff;
	_ =	sdelay $0x4  }
0x20: {  	[tilespmem:s20+$0x480] =	vst v3  }
0x21: {  	[hbm4b:s11+s13] =	stream.strided.scatter [tilespmem:s17], [sflag:$0x1], $0x200, s14, s13, $0x38;
	[tilespmem:$0x680] =	vst v63  }
0x22: {  	_ =	swait.ge [sflag:s15], $0x200  }
0x23: {  	[sflag:s15] =	ssyncset.done $0x0  }
0x24: {  	[sflag:s15] =	ssyncadd.s32 $0xFFFFFE00  }
.LBB2_9:
0x25: {  	s18 =	sadd.s32 $0x1, s18  }
0x26: {  	p1 =	sne.s32 s18, s12  }
.Ltmp1:
0x27: {  	_ = 	snop;
	(pc) =	sbr.rel @!p1 .LBB2_10-.Ltmp1, $1  }
0x28: {  	_ =	sdelay $0x3  }
.LBB2_1:
0x29: {  	[tilespmem:s2], [sflag:$0x1] =	stream.strided.gather [hbm4b:s3+s13], $0x200, s14, s13, $0x38;
	[tilespmem:$0x680] =	vst v63  }
0x2a: {  	_ =	swait.ge [sflag:s15], $0x200  }
0x2b: {  	[sflag:s15] =	ssyncset.done $0x0  }
0x2c: {  	[sflag:s15] =	ssyncadd.s32 $0xFFFFFE00  }
0x2d: {  	[tilespmem:$0x200] =	vst v0  }
0x2e: {  	[tilespmem:s16], [sflag:$0x1] =	stream.strided.gather [hbm4b:s4+s13], $0x200, s14, s13, $0x38;
	[tilespmem:$0x680] =	vst v63  }
0x2f: {  	_ =	swait.ge [sflag:s15], $0x200  }
0x30: {  	[sflag:s15] =	ssyncset.done $0x0  }
0x31: {  	s19 =	simm.s32 $0x0;
	[sflag:s15] =	ssyncadd.s32 $0xFFFFFE00  }
0x32: {  	v3 =	vld [tilespmem:s19+$0x280];
	_ =	sdelay $0x7  }
0x33: {  	s20 =	simm.s32 $0x10;
	s21 =	simm.s32 $0x80;
	v3 =	vld.idx.msk [tilespmem:v3+s2+$0x0], $0xffff  }
.LBB2_2:
0x34: {  	p1 =	sne.s32 s21, $0x7C0;
	v4 =	vld [tilespmem:s20+$0x280];
	_ =	sdelay $0x3  }
.Ltmp2:
0x35: {  	(pc) =	sbr.rel @p1 .LBB2_2-.Ltmp2, $2  }
0x36: {  	[tilespmem:s19+$0x480] =	vst v3;
	s19 =	smov.u32 s20;
	_ =	sdelay $0x2  }
0x37: {  	s20 =	sshra.s32 s21, $0x2;
	s21 =	sadd.s32 $0x40, s21;
	v3 =	vld.idx.msk [tilespmem:v4+s2+$0x0], $0xffff  }
0x38: {  	v4 =	vld [tilespmem:s20+$0x280];
	_ =	sdelay $0x6  }
0x39: {  	[tilespmem:s19+$0x480] =	vst v3  }
0x3a: {  	v3 =	vld.idx.msk [tilespmem:v4+s2+$0x0], $0xffff;
	_ =	sdelay $0x4  }
0x3b: {  	[tilespmem:s20+$0x480] =	vst v3  }
0x3c: {  	[hbm4b:s5+s13] =	stream.strided.scatter [tilespmem:s17], [sflag:$0x1], $0x200, s14, s13, $0x38;
	[tilespmem:$0x680] =	vst v63  }
0x3d: {  	_ =	swait.ge [sflag:s15], $0x200  }
0x3e: {  	[sflag:s15] =	ssyncset.done $0x0  }
0x3f: {  	s31 =	simm.s32 $0x0;
	[sflag:s15] =	ssyncadd.s32 $0xFFFFFE00  }
0x40: {  	[tilespmem:s31], [sflag:$0x1] =	stream.strided.gather [hbm4b:s6+s13], $0x200, s14, s13, $0x38;
	[tilespmem:$0x680] =	vst v63  }
0x41: {  	_ =	swait.ge [sflag:s15], $0x200  }
0x42: {  	[sflag:s15] =	ssyncset.done $0x0  }
0x43: {  	[sflag:s15] =	ssyncadd.s32 $0xFFFFFE00  }
0x44: {  	[tilespmem:$0x200] =	vst v1  }
0x45: {  	[tilespmem:s16], [sflag:$0x1] =	stream.strided.gather [hbm4b:s7+s13], $0x200, s14, s13, $0x38;
	[tilespmem:$0x680] =	vst v63  }
0x46: {  	_ =	swait.ge [sflag:s15], $0x200  }
0x47: {  	[sflag:s15] =	ssyncset.done $0x0  }
0x48: {  	s19 =	simm.s32 $0x0;
	[sflag:s15] =	ssyncadd.s32 $0xFFFFFE00  }
0x49: {  	v3 =	vld [tilespmem:s19+$0x280];
	_ =	sdelay $0x7  }
0x4a: {  	s21 =	simm.s32 $0x80;
	s20 =	simm.s32 $0x10;
	v3 =	vld.idx.msk [tilespmem:v3+s2+$0x0], $0xffff  }
.LBB2_4:
0x4b: {  	p1 =	sne.s32 s21, $0x7C0;
	v4 =	vld [tilespmem:s20+$0x280];
	_ =	sdelay $0x3  }
.Ltmp3:
0x4c: {  	(pc) =	sbr.rel @p1 .LBB2_4-.Ltmp3, $2  }
0x4d: {  	[tilespmem:s19+$0x480] =	vst v3;
	s19 =	smov.u32 s20;
	_ =	sdelay $0x2  }
0x4e: {  	s20 =	sshra.s32 s21, $0x2;
	s21 =	sadd.s32 $0x40, s21;
	v3 =	vld.idx.msk [tilespmem:v4+s2+$0x0], $0xffff  }
0x4f: {  	v4 =	vld [tilespmem:s20+$0x280];
	_ =	sdelay $0x6  }
0x50: {  	[tilespmem:s19+$0x480] =	vst v3  }
0x51: {  	v3 =	vld.idx.msk [tilespmem:v4+s2+$0x0], $0xffff;
	_ =	sdelay $0x4  }
.Ltmp4:
0x52: {  	[tilespmem:s20+$0x480] =	vst v3;
	(pc) =	sbr.rel @p0 .LBB2_9-.Ltmp4, $4  }
0x53: {  	[hbm4b:s8+s13] =	stream.strided.scatter [tilespmem:s17], [sflag:$0x1], $0x200, s14, s13, $0x38;
	[tilespmem:$0x680] =	vst v63  }
0x54: {  	_ =	swait.ge [sflag:s15], $0x200  }
0x55: {  	[sflag:s15] =	ssyncset.done $0x0  }
0x56: {  	[sflag:s15] =	ssyncadd.s32 $0xFFFFFE00  }
0x57: {  	s19 =	simm.s32 $0x0  }
0x58: {  	[tilespmem:s19], [sflag:$0x1] =	stream.strided.gather [hbm4b:s9+s13], $0x200, s14, s13, $0x38;
	[tilespmem:$0x680] =	vst v63  }
0x59: {  	_ =	swait.ge [sflag:s15], $0x200  }
0x5a: {  	[sflag:s15] =	ssyncset.done $0x0  }
0x5b: {  	[sflag:s15] =	ssyncadd.s32 $0xFFFFFE00  }
0x5c: {  	[tilespmem:$0x200] =	vst v2  }
0x5d: {  	[tilespmem:s16], [sflag:$0x1] =	stream.strided.gather [hbm4b:s10+s13], $0x200, s14, s13, $0x38;
	[tilespmem:$0x680] =	vst v63  }
0x5e: {  	_ =	swait.ge [sflag:s15], $0x200  }
0x5f: {  	[sflag:s15] =	ssyncset.done $0x0  }
0x60: {  	s19 =	simm.s32 $0x0;
	[sflag:s15] =	ssyncadd.s32 $0xFFFFFE00  }
0x61: {  	v3 =	vld [tilespmem:s19+$0x280];
	_ =	sdelay $0x7  }
0x62: {  	s20 =	simm.s32 $0x10;
	s21 =	simm.s32 $0x80;
	v3 =	vld.idx.msk [tilespmem:v3+s2+$0x0], $0xffff  }
.LBB2_7:
0x63: {  	p1 =	sne.s32 s21, $0x7C0;
	v4 =	vld [tilespmem:s20+$0x280];
	_ =	sdelay $0x3  }
.Ltmp5:
0x64: {  	(pc) =	sbr.rel @p1 .LBB2_7-.Ltmp5, $2  }
0x65: {  	[tilespmem:s19+$0x480] =	vst v3;
	s19 =	smov.u32 s20;
	_ =	sdelay $0x2  }
0x66: {  	s20 =	sshra.s32 s21, $0x2;
	s21 =	sadd.s32 $0x40, s21;
	v3 =	vld.idx.msk [tilespmem:v4+s2+$0x0], $0xffff  }
.Ltmp6:
0x67: {  	_ = 	snop;
	(pc) =	sbr.rel .LBB2_8-.Ltmp6, $1  }
0x68: {  	_ =	sdelay $0x3  }
.LBB2_10:
0x69: {  	_ =	sfence.sel $0x180000  }
0x6a: {  	[bflag:$0x0] =	sbarrier.arrive $0xFFFF  }
0x6b: {  	p0 =	sne.s32 s0, $0x0;
	_ =	strace $0x90000047  }
0x6c: {  	s0 =	sadd.s32 @!p0 $0x100000, s1;
	[bflag:$0x2] =	sbarrier.arrive $0xFFFF  }
0x6d: {  	[sflag:s0] =	ssyncadd.tile.s32 @!p0 $0x1;
	_ =	shalt  }
.Lfunc_end2:
_tile_overlayer_lowered:
.L_overlay_start_2:
0x6e: {  	(tag) =	ssettag $0x2  }
0x6f: {  	s0 =	rddreg [dreg:$0x0];
	s2 =	stileid.u32  }
0x70: {  	s1 =	rddreg [dreg:$0x1];
	p0 =	sne.s32 s2, $0x0  }
0x71: {  	s3 =	rddreg [dreg:$0x2];
	[bflag:$0x3] =	sbarrier.arrive $0xFFFF;
	s2 =	simm.s32 @!p0 $0x1C01  }
0x72: {  	[timem:s3], [sflag:s2] =	dma.local @!p0 [hbm:s0], s1  }
0x73: {  	s0 =	simm.s32 @!p0 $0x1  }
0x74: {  	_ =	swait.ge @!p0 [sflag:s0], s1  }
0x75: {  	s1 =	ssub.s32 @!p0 $0x0, s1;
	[sflag:s0] =	ssyncset.done @!p0 $0x0  }
0x76: {  	[sflag:s0] =	ssyncadd.s32 @!p0 s1  }
0x77: {  	[bflag:$0x3] =	sbarrier.arrive $0xFFFF  }
0x78: {  	_ =	shalt  }

</sc_bundles>
